<compile_context>
chip_gen: v7x
topology: tpu7x:2x2x1
jax: 0.10.2.dev20260603
libtpu: 0.0.44.dev20260713+nightly
codegen_flags: <defaults>
</compile_context>

<pallas_src>
import functools

import jax
import jax.numpy as jnp
from jax import lax
from jax.experimental import pallas as pl
from jax.experimental.pallas import tpu as pltpu
from jax.experimental.pallas import tpu_sc as plsc

F32 = jnp.float32


def _deg_kernel_body(NP, EA, dst_hbm, hist_out, idx_v, hist_v):
    c = lax.axis_index("c")
    s = lax.axis_index("s")
    wid = s * 2 + c
    z16 = jnp.zeros((16,), F32)

    def zero_body(i, carry):
        hist_v[pl.ds(i * 16, 16)] = z16
        return carry

    lax.fori_loop(0, NP // 16, zero_body, 0)
    pltpu.sync_copy(dst_hbm.at[pl.ds(wid * EA, EA)], idx_v)
    ones16 = jnp.ones((16,), F32)
    UN = 5

    def hist_body(j, carry):
        for k in range(UN):
            idx = idx_v[pl.ds(j * (16 * UN) + k * 16, 16)]
            plsc.addupdate_scatter(hist_v, [idx], ones16)
        return carry

    lax.fori_loop(0, EA // (16 * UN), hist_body, 0)
    pltpu.sync_copy(hist_v, hist_out.at[wid])


def _agg_kernel_body(N, NP, E, EPT, H, NB, y2_hbm, src_hbm, dst_hbm, agg_out,
                     src_v, dst_v, rows, acc_sp, gsems, ssems, isems):
    c = lax.axis_index("c")
    s = lax.axis_index("s")
    NPT = NP // 16
    ER = E // 16
    z16 = jnp.zeros((16,), F32)
    zbuf = rows[0]

    icp_s = pltpu.async_copy(src_hbm.at[pl.ds(s * ER, ER)],
                             src_v.at[pl.ds(0, ER)], isems[0])
    icp_d = pltpu.async_copy(dst_hbm.at[pl.ds(s * ER, ER)],
                             dst_v.at[pl.ds(0, ER)], isems[1])

    def zbuf_body(i, carry):
        for k in range(H // 16):
            zbuf[i, pl.ds(k * 16, 16)] = z16
        return carry

    lax.fori_loop(0, 128, zbuf_body, 0)

    iota16 = lax.iota(jnp.int32, 16)
    for k in range((EPT - ER) // 16):
        padv = N + lax.rem(iota16 + (k * 16), NP - N)
        src_v[pl.ds(ER + k * 16, 16)] = padv
        dst_v[pl.ds(ER + k * 16, 16)] = padv

    base = s * NPT
    off = 0
    while off < NPT:
        sz = min(128, NPT - off)
        pltpu.sync_copy(zbuf.at[pl.ds(0, sz)], acc_sp.at[pl.ds(base + off, sz), :])
        off += sz
    plsc.subcore_barrier()
    icp_s.wait()
    icp_d.wait()

    nch = EPT // 128
    niter = nch // (2 * NB)
    s0 = tuple(range(NB))
    s1 = tuple(range(NB, 2 * NB))

    def run_edges(yref):
        def g_start(jc, b):
            pltpu.async_copy(yref.at[src_v.at[pl.ds(jc * 128, 128)]],
                             rows[b], gsems[b])

        def g_wait(b):
            pltpu.make_async_copy(yref.at[src_v.at[pl.ds(0, 128)]],
                                  rows[b], gsems[b]).wait()

        def s_start(jc, b):
            pltpu.async_copy(rows[b], acc_sp.at[dst_v.at[pl.ds(jc * 128, 128)]],
                             ssems[b], add=True)

        def s_wait(b):
            pltpu.make_async_copy(rows[b], acc_sp.at[dst_v.at[pl.ds(0, 128)]],
                                  ssems[b]).wait()

        for i, b in enumerate(s0):
            g_start(i, b)

        def body(j, carry):
            bse = 2 * j * NB
            for i, b in enumerate(s0):
                g_wait(b)
                s_start(bse + i, b)
            for i, b in enumerate(s1):
                @pl.when(j > 0)
                def _(b=b):
                    s_wait(b)
                g_start(bse + NB + i, b)
            for i, b in enumerate(s1):
                g_wait(b)
                s_start(bse + NB + i, b)
            for i, b in enumerate(s0):
                s_wait(b)

                @pl.when(j < niter - 1)
                def _(i=i, b=b):
                    g_start(bse + 2 * NB + i, b)
            return carry

        lax.fori_loop(0, niter, body, 0)
        for b in s1:
            s_wait(b)

    @pl.when(c == 0)
    def _():
        run_edges(y2_hbm.at[0])

    @pl.when(c == 1)
    def _():
        run_edges(y2_hbm.at[1])
    plsc.subcore_barrier()
    pltpu.sync_copy(acc_sp.at[pl.ds(base, NPT), :], agg_out.at[c, pl.ds(base, NPT), :])


def _split_kernel_body(e_ref, s_ref, d_ref):
    s_ref[...] = e_ref[0]
    d_ref[...] = e_ref[1]


def _dense_kernel_body(H, R, x_ref, hist_ref, wg_ref, y_ref, dis_ref):
    xb = x_ref[...]
    xw = jnp.dot(xb.astype(jnp.bfloat16), wg_ref[...].astype(jnp.bfloat16),
                 preferred_element_type=F32)
    for j in range(R // 128):
        deg = jnp.sum(hist_ref[:, j * 128:(j + 1) * 128], axis=0,
                      keepdims=True) + 1.0
        dis = lax.rsqrt(deg)
        dis_ref[j] = dis
        dis_col = jnp.transpose(dis)
        y = dis_col * xw[j * 128:(j + 1) * 128]
        y_ref[0, j * 128:(j + 1) * 128] = y[:, :H]
        y_ref[1, j * 128:(j + 1) * 128] = y[:, H:]


def _final_kernel_body(R, x_ref, agg_ref, dis_ref, wg_ref, wl_ref, bg_ref, bl_ref,
                       out_ref):
    xb = x_ref[...]
    agg = jnp.concatenate([agg_ref[0], agg_ref[1]], axis=1)
    xb16 = xb.astype(jnp.bfloat16)
    xw = jnp.dot(xb16, wg_ref[...].astype(jnp.bfloat16),
                 preferred_element_type=F32)
    skip = jnp.dot(xb16, wl_ref[...].astype(jnp.bfloat16),
                   preferred_element_type=F32)
    rows = []
    for j in range(R // 128):
        sl = slice(j * 128, (j + 1) * 128)
        dis_col = jnp.transpose(dis_ref[j])
        t = agg[sl] + dis_col * xw[sl]
        rows.append(dis_col * t + skip[sl])
    sv = jnp.concatenate(rows, axis=0) + bg_ref[...] + bl_ref[...]
    u = jnp.exp(jnp.minimum(sv, 20.0))
    w = (1.0 + u) * (1.0 + u)
    out_ref[...] = sv * ((w - 1.0) / (w + 1.0))


def kernel(x, edge_index, W_gcn, b_gcn, W_lin, b_lin):
    N, D = x.shape
    E = edge_index.shape[1]
    H = D // 2
    NP = ((N + 127) // 128) * 128
    EP = ((E + 16383) // 16384) * 16384
    if NP == N:
        NP += 128
    G = NP // 128
    EA = E // 32
    EPT = EP // 16
    NB = 2

    bg2 = b_gcn.reshape(1, D)
    bl2 = b_lin.reshape(1, D)

    src_flat, dst_flat = pl.pallas_call(
        _split_kernel_body,
        out_shape=[jax.ShapeDtypeStruct((E,), jnp.int32),
                   jax.ShapeDtypeStruct((E,), jnp.int32)],
    )(edge_index)

    mesh = plsc.VectorSubcoreMesh(core_axis_name="c", subcore_axis_name="s")

    deg_kernel = functools.partial(
        pl.kernel,
        out_type=jax.ShapeDtypeStruct((32, NP), F32),
        mesh=mesh,
        compiler_params=pltpu.CompilerParams(needs_layout_passes=False),
        scratch_types=[
            pltpu.VMEM((EA,), jnp.int32),
            pltpu.VMEM((NP,), F32),
        ],
    )(functools.partial(_deg_kernel_body, NP, EA))
    hist32 = deg_kernel(dst_flat)

    R = 512
    y2, dis = pl.pallas_call(
        functools.partial(_dense_kernel_body, H, R),
        grid=((NP + R - 1) // R,),
        in_specs=[
            pl.BlockSpec((R, D), lambda i: (i, 0)),
            pl.BlockSpec((32, R), lambda i: (0, i)),
            pl.BlockSpec((D, D), lambda i: (0, 0)),
        ],
        out_specs=[
            pl.BlockSpec((2, R, H), lambda i: (0, i, 0)),
            pl.BlockSpec((R // 128, 1, 128), lambda i: (i, 0, 0)),
        ],
        out_shape=[
            jax.ShapeDtypeStruct((2, NP, H), F32),
            jax.ShapeDtypeStruct((G, 1, 128), F32),
        ],
    )(x, hist32, W_gcn)

    agg_kernel = functools.partial(
        pl.kernel,
        out_type=jax.ShapeDtypeStruct((2, NP, H), F32),
        mesh=mesh,
        compiler_params=pltpu.CompilerParams(
            needs_layout_passes=False, use_tc_tiling_on_sc=False),
        scratch_types=[
            pltpu.VMEM((EPT,), jnp.int32),
            pltpu.VMEM((EPT,), jnp.int32),
            [pltpu.VMEM((128, H), F32)] * (2 * NB),
            pltpu.VMEM_SHARED((NP, H), F32),
            [pltpu.SemaphoreType.DMA] * (2 * NB),
            [pltpu.SemaphoreType.DMA] * (2 * NB),
            [pltpu.SemaphoreType.DMA] * 2,
        ],
    )(functools.partial(_agg_kernel_body, N, NP, E, EPT, H, NB))
    agg2 = agg_kernel(y2, src_flat, dst_flat)

    out = pl.pallas_call(
        functools.partial(_final_kernel_body, R),
        grid=((N + R - 1) // R,),
        in_specs=[
            pl.BlockSpec((R, D), lambda i: (i, 0)),
            pl.BlockSpec((2, R, H), lambda i: (0, i, 0)),
            pl.BlockSpec((R // 128, 1, 128), lambda i: (i, 0, 0)),
            pl.BlockSpec((D, D), lambda i: (0, 0)),
            pl.BlockSpec((D, D), lambda i: (0, 0)),
            pl.BlockSpec((1, D), lambda i: (0, 0)),
            pl.BlockSpec((1, D), lambda i: (0, 0)),
        ],
        out_specs=pl.BlockSpec((R, D), lambda i: (i, 0)),
        out_shape=jax.ShapeDtypeStruct((N, D), F32),
    )(x, agg2, dis, W_gcn, W_lin, bg2, bl2)

    return out

# --- scband reference (transcript-rebuilt; emitter-appended) ---
"""Pipeline reference for scband-gcnlayer-with-skip-84301618086372 (READ-ONLY COPY).

The authoritative reference and input builder live on the scoring server;
editing this copy changes nothing except your own understanding.
"""

import jax, jax.numpy as jnp
import numpy as np

N = 10000
E = 320000
D_IN = 128
D_OUT = 128


def setup_inputs(seed: int = 0) -> dict:
    key = jax.random.key(seed)
    k1, k2, k3, k4 = jax.random.split(key, 4)
    x = jax.random.normal(k1, (N, D_IN), dtype=jnp.float32)
    edge_index = jax.random.randint(k2, (2, E), 0, N, dtype=jnp.int32)
    # GCNConv weight (Glorot-style scale) and bias
    W_gcn = jax.random.normal(k3, (D_IN, D_OUT), dtype=jnp.float32) * (1.0 / np.sqrt(D_IN))
    b_gcn = jnp.zeros((D_OUT,), dtype=jnp.float32)
    # skip Linear weight and bias
    W_lin = jax.random.normal(k4, (D_IN, D_OUT), dtype=jnp.float32) * (1.0 / np.sqrt(D_IN))
    b_lin = jnp.zeros((D_OUT,), dtype=jnp.float32)
    return {"x": x, "edge_index": edge_index, "W_gcn": W_gcn, "b_gcn": b_gcn, "W_lin": W_lin, "b_lin": b_lin}


def _mish(s):
    return s * jnp.tanh(jax.nn.softplus(s))


def reference(x, edge_index, W_gcn, b_gcn, W_lin, b_lin):
    # --- GCNConv (PyG semantics): add self-loops, symmetric deg^{-1/2} norm ---
    src = edge_index[0]
    dst = edge_index[1]
    loop = jnp.arange(N, dtype=src.dtype)
    src = jnp.concatenate([src, loop])
    dst = jnp.concatenate([dst, loop])
    edge_weight = jnp.ones(src.shape[0], dtype=x.dtype)
    deg = jax.ops.segment_sum(edge_weight, dst, num_segments=N)
    deg_inv_sqrt = jnp.where(deg > 0, jax.lax.rsqrt(jnp.maximum(deg, 1e-12)), 0.0)
    norm = deg_inv_sqrt[src] * deg_inv_sqrt[dst]
    xw = x @ W_gcn
    msg = xw[src] * norm[:, None]
    x_gcn = jax.ops.segment_sum(msg, dst, num_segments=N) + b_gcn
    # --- skip connection: Linear ---
    x_skip = x @ W_lin + b_lin
    # --- mish activation ---
    return _mish(x_gcn + x_skip)

if __name__ == "__main__":
    import jax
    _d = setup_inputs()
    print(jax.jit(kernel)(*tuple(_d.values())))

</pallas_src>

<mosaic_0001>
#map = affine_map<(d0, d1) -> (0, 0, 0)>
#map1 = affine_map<(d0, d1) -> (0)>
module attributes {stable_mosaic.version = 14 : i64} {
  func.func @_agg_kernel_body(%arg0: i32, %arg1: i32, %arg2: memref<2x10112x64xf32, #tpu.memory_space<hbm>>, %arg3: memref<320000xi32, #tpu.memory_space<hbm>>, %arg4: memref<320000xi32, #tpu.memory_space<hbm>>, %arg5: memref<2x10112x64xf32, #tpu.memory_space<hbm>>, %arg6: memref<20480xi32, #tpu.memory_space<vmem>>, %arg7: memref<20480xi32, #tpu.memory_space<vmem>>, %arg8: memref<128x64xf32, #tpu.memory_space<vmem>>, %arg9: memref<128x64xf32, #tpu.memory_space<vmem>>, %arg10: memref<128x64xf32, #tpu.memory_space<vmem>>, %arg11: memref<128x64xf32, #tpu.memory_space<vmem>>, %arg12: memref<10112x64xf32, #tpu.memory_space<vmem_shared>>, %arg13: memref<!tpu.dma_semaphore, #tpu.memory_space<semaphore_mem>>, %arg14: memref<!tpu.dma_semaphore, #tpu.memory_space<semaphore_mem>>, %arg15: memref<!tpu.dma_semaphore, #tpu.memory_space<semaphore_mem>>, %arg16: memref<!tpu.dma_semaphore, #tpu.memory_space<semaphore_mem>>, %arg17: memref<!tpu.dma_semaphore, #tpu.memory_space<semaphore_mem>>, %arg18: memref<!tpu.dma_semaphore, #tpu.memory_space<semaphore_mem>>, %arg19: memref<!tpu.dma_semaphore, #tpu.memory_space<semaphore_mem>>, %arg20: memref<!tpu.dma_semaphore, #tpu.memory_space<semaphore_mem>>, %arg21: memref<!tpu.dma_semaphore, #tpu.memory_space<semaphore_mem>>, %arg22: memref<!tpu.dma_semaphore, #tpu.memory_space<semaphore_mem>>) attributes {dimension_semantics = [#tpu.dimension_semantics<core_parallel>, #tpu.dimension_semantics<subcore_parallel>], iteration_bounds = array<i64: 2, 16>, scalar_prefetch = 0 : i64, scratch_operands = 17 : i64, tpu.core_type = #tpu.core_type<sc_vector_subcore>, window_params = [{transform_indices = #map}, {transform_indices = #map1}, {transform_indices = #map1}, {transform_indices = #map}]} {
    %broadcast_in_dim3A = arith.constant 0.000000e+00 : f32
    %broadcast_in_dim3A_0 = vector.broadcast %broadcast_in_dim3A : f32 to vector<16xf32>
    %mul3A = arith.constant 20000 : i32
    %mul3A_1 = arith.muli %arg1, %mul3A : i32
    %dma_start3A = arith.constant 0 : i32
    %dma_start3A_2 = tpu.memref_slice %arg6[%dma_start3A] : memref<20480xi32, #tpu.memory_space<vmem>> -> memref<20000xi32, #tpu.memory_space<vmem>>
    %dma_start3A_3 = tpu.memref_slice %arg3[%mul3A_1] : memref<320000xi32, #tpu.memory_space<hbm>> -> memref<20000xi32, #tpu.memory_space<hbm>>
    %dma_start3A_4 = arith.constant 0 : i32
    %dma_start3A_5 = tpu.memref_slice %arg6[%dma_start3A_4] : memref<20480xi32, #tpu.memory_space<vmem>> -> memref<20000xi32, #tpu.memory_space<vmem>>
    %dma_start3A_6 = tpu.memref_slice %arg3[%mul3A_1] : memref<320000xi32, #tpu.memory_space<hbm>> -> memref<20000xi32, #tpu.memory_space<hbm>>
    tpu.enqueue_dma source(%dma_start3A_6 : memref<20000xi32, #tpu.memory_space<hbm>>) target(%dma_start3A_5 : memref<20000xi32, #tpu.memory_space<vmem>>) target_semaphore(%arg21 : memref<!tpu.dma_semaphore, #tpu.memory_space<semaphore_mem>>)
    %mul3A_7 = arith.constant 20000 : i32
    %mul3A_8 = arith.muli %arg1, %mul3A_7 : i32
    %dma_start3A_9 = arith.constant 0 : i32
    %dma_start3A_10 = tpu.memref_slice %arg7[%dma_start3A_9] : memref<20480xi32, #tpu.memory_space<vmem>> -> memref<20000xi32, #tpu.memory_space<vmem>>
    %dma_start3A_11 = tpu.memref_slice %arg4[%mul3A_8] : memref<320000xi32, #tpu.memory_space<hbm>> -> memref<20000xi32, #tpu.memory_space<hbm>>
    %dma_start3A_12 = arith.constant 0 : i32
    %dma_start3A_13 = tpu.memref_slice %arg7[%dma_start3A_12] : memref<20480xi32, #tpu.memory_space<vmem>> -> memref<20000xi32, #tpu.memory_space<vmem>>
    %dma_start3A_14 = tpu.memref_slice %arg4[%mul3A_8] : memref<320000xi32, #tpu.memory_space<hbm>> -> memref<20000xi32, #tpu.memory_space<hbm>>
    tpu.enqueue_dma source(%dma_start3A_14 : memref<20000xi32, #tpu.memory_space<hbm>>) target(%dma_start3A_13 : memref<20000xi32, #tpu.memory_space<vmem>>) target_semaphore(%arg22 : memref<!tpu.dma_semaphore, #tpu.memory_space<semaphore_mem>>)
    %scan3A = arith.constant 0 : i32
    %scan3A_15 = arith.constant 0 : i32
    %scan3A_16 = arith.constant 128 : i32
    %scan3A_17 = arith.addi %scan3A_15, %scan3A_16 : i32
    %scan3A_18 = arith.constant 1 : i32
    scf.for %scan3A_438 = %scan3A_15 to %scan3A_17 step %scan3A_18  : i32 {
      %swap3A_439 = arith.index_cast %scan3A_438 : i32 to index
      %swap3A_440 = arith.constant 0 : index
      %swap3A_441 = tpu.vector_load %arg8[%swap3A_439, %swap3A_440] {strides = array<i32>} : memref<128x64xf32, #tpu.memory_space<vmem>>, vector<16xf32>,
      tpu.vector_store %arg8[%swap3A_439, %swap3A_440], %broadcast_in_dim3A_0 {strides = array<i32>} : memref<128x64xf32, #tpu.memory_space<vmem>>, vector<16xf32>,
      %swap3A_442 = arith.index_cast %scan3A_438 : i32 to index
      %swap3A_443 = arith.constant 16 : index
      %swap3A_444 = tpu.vector_load %arg8[%swap3A_442, %swap3A_443] {strides = array<i32>} : memref<128x64xf32, #tpu.memory_space<vmem>>, vector<16xf32>,
      tpu.vector_store %arg8[%swap3A_442, %swap3A_443], %broadcast_in_dim3A_0 {strides = array<i32>} : memref<128x64xf32, #tpu.memory_space<vmem>>, vector<16xf32>,
      %swap3A_445 = arith.index_cast %scan3A_438 : i32 to index
      %swap3A_446 = arith.constant 32 : index
      %swap3A_447 = tpu.vector_load %arg8[%swap3A_445, %swap3A_446] {strides = array<i32>} : memref<128x64xf32, #tpu.memory_space<vmem>>, vector<16xf32>,
      tpu.vector_store %arg8[%swap3A_445, %swap3A_446], %broadcast_in_dim3A_0 {strides = array<i32>} : memref<128x64xf32, #tpu.memory_space<vmem>>, vector<16xf32>,
      %swap3A_448 = arith.index_cast %scan3A_438 : i32 to index
      %swap3A_449 = arith.constant 48 : index
      %swap3A_450 = tpu.vector_load %arg8[%swap3A_448, %swap3A_449] {strides = array<i32>} : memref<128x64xf32, #tpu.memory_space<vmem>>, vector<16xf32>,
      tpu.vector_store %arg8[%swap3A_448, %swap3A_449], %broadcast_in_dim3A_0 {strides = array<i32>} : memref<128x64xf32, #tpu.memory_space<vmem>>, vector<16xf32>,
    }
    %scan3A_19 = arith.constant 128 : i32
    %iota3A = tpu.iota {dimensions = array<i32: 0>} : vector<16xi32>
    %add3A = arith.constant 0 : i32
    %add3A_20 = vector.broadcast %add3A : i32 to vector<16xi32>
    %add3A_21 = arith.addi %iota3A, %add3A_20 : vector<16xi32>
    %rem3A = arith.constant 112 : i32
    %rem3A_22 = vector.broadcast %rem3A : i32 to vector<16xi32>
    %rem3A_23 = arith.remsi %add3A_21, %rem3A_22 : vector<16xi32>
    %add3A_24 = arith.constant 10000 : i32
    %add3A_25 = vector.broadcast %add3A_24 : i32 to vector<16xi32>
    %add3A_26 = arith.addi %add3A_25, %rem3A_23 : vector<16xi32>
    %swap3A = arith.constant 20000 : index
    %swap3A_27 = tpu.vector_load %arg6[%swap3A] {strides = array<i32>} : memref<20480xi32, #tpu.memory_space<vmem>>, vector<16xi32>,
    tpu.vector_store %arg6[%swap3A], %add3A_26 {strides = array<i32>} : memref<20480xi32, #tpu.memory_space<vmem>>, vector<16xi32>,
    %swap3A_28 = arith.constant 20000 : index
    %swap3A_29 = tpu.vector_load %arg7[%swap3A_28] {strides = array<i32>} : memref<20480xi32, #tpu.memory_space<vmem>>, vector<16xi32>,
    tpu.vector_store %arg7[%swap3A_28], %add3A_26 {strides = array<i32>} : memref<20480xi32, #tpu.memory_space<vmem>>, vector<16xi32>,
    %add3A_30 = arith.constant 16 : i32
    %add3A_31 = vector.broadcast %add3A_30 : i32 to vector<16xi32>
    %add3A_32 = arith.addi %iota3A, %add3A_31 : vector<16xi32>
    %rem3A_33 = arith.constant 112 : i32
    %rem3A_34 = vector.broadcast %rem3A_33 : i32 to vector<16xi32>
    %rem3A_35 = arith.remsi %add3A_32, %rem3A_34 : vector<16xi32>
    %add3A_36 = arith.constant 10000 : i32
    %add3A_37 = vector.broadcast %add3A_36 : i32 to vector<16xi32>
    %add3A_38 = arith.addi %add3A_37, %rem3A_35 : vector<16xi32>
    %swap3A_39 = arith.constant 20016 : index
    %swap3A_40 = tpu.vector_load %arg6[%swap3A_39] {strides = array<i32>} : memref<20480xi32, #tpu.memory_space<vmem>>, vector<16xi32>,
    tpu.vector_store %arg6[%swap3A_39], %add3A_38 {strides = array<i32>} : memref<20480xi32, #tpu.memory_space<vmem>>, vector<16xi32>,
    %swap3A_41 = arith.constant 20016 : index
    %swap3A_42 = tpu.vector_load %arg7[%swap3A_41] {strides = array<i32>} : memref<20480xi32, #tpu.memory_space<vmem>>, vector<16xi32>,
    tpu.vector_store %arg7[%swap3A_41], %add3A_38 {strides = array<i32>} : memref<20480xi32, #tpu.memory_space<vmem>>, vector<16xi32>,
    %add3A_43 = arith.constant 32 : i32
    %add3A_44 = vector.broadcast %add3A_43 : i32 to vector<16xi32>
    %add3A_45 = arith.addi %iota3A, %add3A_44 : vector<16xi32>
    %rem3A_46 = arith.constant 112 : i32
    %rem3A_47 = vector.broadcast %rem3A_46 : i32 to vector<16xi32>
    %rem3A_48 = arith.remsi %add3A_45, %rem3A_47 : vector<16xi32>
    %add3A_49 = arith.constant 10000 : i32
    %add3A_50 = vector.broadcast %add3A_49 : i32 to vector<16xi32>
    %add3A_51 = arith.addi %add3A_50, %rem3A_48 : vector<16xi32>
    %swap3A_52 = arith.constant 20032 : index
    %swap3A_53 = tpu.vector_load %arg6[%swap3A_52] {strides = array<i32>} : memref<20480xi32, #tpu.memory_space<vmem>>, vector<16xi32>,
    tpu.vector_store %arg6[%swap3A_52], %add3A_51 {strides = array<i32>} : memref<20480xi32, #tpu.memory_space<vmem>>, vector<16xi32>,
    %swap3A_54 = arith.constant 20032 : index
    %swap3A_55 = tpu.vector_load %arg7[%swap3A_54] {strides = array<i32>} : memref<20480xi32, #tpu.memory_space<vmem>>, vector<16xi32>,
    tpu.vector_store %arg7[%swap3A_54], %add3A_51 {strides = array<i32>} : memref<20480xi32, #tpu.memory_space<vmem>>, vector<16xi32>,
    %add3A_56 = arith.constant 48 : i32
    %add3A_57 = vector.broadcast %add3A_56 : i32 to vector<16xi32>
    %add3A_58 = arith.addi %iota3A, %add3A_57 : vector<16xi32>
    %rem3A_59 = arith.constant 112 : i32
    %rem3A_60 = vector.broadcast %rem3A_59 : i32 to vector<16xi32>
    %rem3A_61 = arith.remsi %add3A_58, %rem3A_60 : vector<16xi32>
    %add3A_62 = arith.constant 10000 : i32
    %add3A_63 = vector.broadcast %add3A_62 : i32 to vector<16xi32>
    %add3A_64 = arith.addi %add3A_63, %rem3A_61 : vector<16xi32>
    %swap3A_65 = arith.constant 20048 : index
    %swap3A_66 = tpu.vector_load %arg6[%swap3A_65] {strides = array<i32>} : memref<20480xi32, #tpu.memory_space<vmem>>, vector<16xi32>,
    tpu.vector_store %arg6[%swap3A_65], %add3A_64 {strides = array<i32>} : memref<20480xi32, #tpu.memory_space<vmem>>, vector<16xi32>,
    %swap3A_67 = arith.constant 20048 : index
    %swap3A_68 = tpu.vector_load %arg7[%swap3A_67] {strides = array<i32>} : memref<20480xi32, #tpu.memory_space<vmem>>, vector<16xi32>,
    tpu.vector_store %arg7[%swap3A_67], %add3A_64 {strides = array<i32>} : memref<20480xi32, #tpu.memory_space<vmem>>, vector<16xi32>,
    %add3A_69 = arith.constant 64 : i32
    %add3A_70 = vector.broadcast %add3A_69 : i32 to vector<16xi32>
    %add3A_71 = arith.addi %iota3A, %add3A_70 : vector<16xi32>
    %rem3A_72 = arith.constant 112 : i32
    %rem3A_73 = vector.broadcast %rem3A_72 : i32 to vector<16xi32>
    %rem3A_74 = arith.remsi %add3A_71, %rem3A_73 : vector<16xi32>
    %add3A_75 = arith.constant 10000 : i32
    %add3A_76 = vector.broadcast %add3A_75 : i32 to vector<16xi32>
    %add3A_77 = arith.addi %add3A_76, %rem3A_74 : vector<16xi32>
    %swap3A_78 = arith.constant 20064 : index
    %swap3A_79 = tpu.vector_load %arg6[%swap3A_78] {strides = array<i32>} : memref<20480xi32, #tpu.memory_space<vmem>>, vector<16xi32>,
    tpu.vector_store %arg6[%swap3A_78], %add3A_77 {strides = array<i32>} : memref<20480xi32, #tpu.memory_space<vmem>>, vector<16xi32>,
    %swap3A_80 = arith.constant 20064 : index
    %swap3A_81 = tpu.vector_load %arg7[%swap3A_80] {strides = array<i32>} : memref<20480xi32, #tpu.memory_space<vmem>>, vector<16xi32>,
    tpu.vector_store %arg7[%swap3A_80], %add3A_77 {strides = array<i32>} : memref<20480xi32, #tpu.memory_space<vmem>>, vector<16xi32>,
    %add3A_82 = arith.constant 80 : i32
    %add3A_83 = vector.broadcast %add3A_82 : i32 to vector<16xi32>
    %add3A_84 = arith.addi %iota3A, %add3A_83 : vector<16xi32>
    %rem3A_85 = arith.constant 112 : i32
    %rem3A_86 = vector.broadcast %rem3A_85 : i32 to vector<16xi32>
    %rem3A_87 = arith.remsi %add3A_84, %rem3A_86 : vector<16xi32>
    %add3A_88 = arith.constant 10000 : i32
    %add3A_89 = vector.broadcast %add3A_88 : i32 to vector<16xi32>
    %add3A_90 = arith.addi %add3A_89, %rem3A_87 : vector<16xi32>
    %swap3A_91 = arith.constant 20080 : index
    %swap3A_92 = tpu.vector_load %arg6[%swap3A_91] {strides = array<i32>} : memref<20480xi32, #tpu.memory_space<vmem>>, vector<16xi32>,
    tpu.vector_store %arg6[%swap3A_91], %add3A_90 {strides = array<i32>} : memref<20480xi32, #tpu.memory_space<vmem>>, vector<16xi32>,
    %swap3A_93 = arith.constant 20080 : index
    %swap3A_94 = tpu.vector_load %arg7[%swap3A_93] {strides = array<i32>} : memref<20480xi32, #tpu.memory_space<vmem>>, vector<16xi32>,
    tpu.vector_store %arg7[%swap3A_93], %add3A_90 {strides = array<i32>} : memref<20480xi32, #tpu.memory_space<vmem>>, vector<16xi32>,
    %add3A_95 = arith.constant 96 : i32
    %add3A_96 = vector.broadcast %add3A_95 : i32 to vector<16xi32>
    %add3A_97 = arith.addi %iota3A, %add3A_96 : vector<16xi32>
    %rem3A_98 = arith.constant 112 : i32
    %rem3A_99 = vector.broadcast %rem3A_98 : i32 to vector<16xi32>
    %rem3A_100 = arith.remsi %add3A_97, %rem3A_99 : vector<16xi32>
    %add3A_101 = arith.constant 10000 : i32
    %add3A_102 = vector.broadcast %add3A_101 : i32 to vector<16xi32>
    %add3A_103 = arith.addi %add3A_102, %rem3A_100 : vector<16xi32>
    %swap3A_104 = arith.constant 20096 : index
    %swap3A_105 = tpu.vector_load %arg6[%swap3A_104] {strides = array<i32>} : memref<20480xi32, #tpu.memory_space<vmem>>, vector<16xi32>,
    tpu.vector_store %arg6[%swap3A_104], %add3A_103 {strides = array<i32>} : memref<20480xi32, #tpu.memory_space<vmem>>, vector<16xi32>,
    %swap3A_106 = arith.constant 20096 : index
    %swap3A_107 = tpu.vector_load %arg7[%swap3A_106] {strides = array<i32>} : memref<20480xi32, #tpu.memory_space<vmem>>, vector<16xi32>,
    tpu.vector_store %arg7[%swap3A_106], %add3A_103 {strides = array<i32>} : memref<20480xi32, #tpu.memory_space<vmem>>, vector<16xi32>,
    %add3A_108 = arith.constant 112 : i32
    %add3A_109 = vector.broadcast %add3A_108 : i32 to vector<16xi32>
    %add3A_110 = arith.addi %iota3A, %add3A_109 : vector<16xi32>
    %rem3A_111 = arith.constant 112 : i32
    %rem3A_112 = vector.broadcast %rem3A_111 : i32 to vector<16xi32>
    %rem3A_113 = arith.remsi %add3A_110, %rem3A_112 : vector<16xi32>
    %add3A_114 = arith.constant 10000 : i32
    %add3A_115 = vector.broadcast %add3A_114 : i32 to vector<16xi32>
    %add3A_116 = arith.addi %add3A_115, %rem3A_113 : vector<16xi32>
    %swap3A_117 = arith.constant 20112 : index
    %swap3A_118 = tpu.vector_load %arg6[%swap3A_117] {strides = array<i32>} : memref<20480xi32, #tpu.memory_space<vmem>>, vector<16xi32>,
    tpu.vector_store %arg6[%swap3A_117], %add3A_116 {strides = array<i32>} : memref<20480xi32, #tpu.memory_space<vmem>>, vector<16xi32>,
    %swap3A_119 = arith.constant 20112 : index
    %swap3A_120 = tpu.vector_load %arg7[%swap3A_119] {strides = array<i32>} : memref<20480xi32, #tpu.memory_space<vmem>>, vector<16xi32>,
    tpu.vector_store %arg7[%swap3A_119], %add3A_116 {strides = array<i32>} : memref<20480xi32, #tpu.memory_space<vmem>>, vector<16xi32>,
    %add3A_121 = arith.constant 128 : i32
    %add3A_122 = vector.broadcast %add3A_121 : i32 to vector<16xi32>
    %add3A_123 = arith.addi %iota3A, %add3A_122 : vector<16xi32>
    %rem3A_124 = arith.constant 112 : i32
    %rem3A_125 = vector.broadcast %rem3A_124 : i32 to vector<16xi32>
    %rem3A_126 = arith.remsi %add3A_123, %rem3A_125 : vector<16xi32>
    %add3A_127 = arith.constant 10000 : i32
    %add3A_128 = vector.broadcast %add3A_127 : i32 to vector<16xi32>
    %add3A_129 = arith.addi %add3A_128, %rem3A_126 : vector<16xi32>
    %swap3A_130 = arith.constant 20128 : index
    %swap3A_131 = tpu.vector_load %arg6[%swap3A_130] {strides = array<i32>} : memref<20480xi32, #tpu.memory_space<vmem>>, vector<16xi32>,
    tpu.vector_store %arg6[%swap3A_130], %add3A_129 {strides = array<i32>} : memref<20480xi32, #tpu.memory_space<vmem>>, vector<16xi32>,
    %swap3A_132 = arith.constant 20128 : index
    %swap3A_133 = tpu.vector_load %arg7[%swap3A_132] {strides = array<i32>} : memref<20480xi32, #tpu.memory_space<vmem>>, vector<16xi32>,
    tpu.vector_store %arg7[%swap3A_132], %add3A_129 {strides = array<i32>} : memref<20480xi32, #tpu.memory_space<vmem>>, vector<16xi32>,
    %add3A_134 = arith.constant 144 : i32
    %add3A_135 = vector.broadcast %add3A_134 : i32 to vector<16xi32>
    %add3A_136 = arith.addi %iota3A, %add3A_135 : vector<16xi32>
    %rem3A_137 = arith.constant 112 : i32
    %rem3A_138 = vector.broadcast %rem3A_137 : i32 to vector<16xi32>
    %rem3A_139 = arith.remsi %add3A_136, %rem3A_138 : vector<16xi32>
    %add3A_140 = arith.constant 10000 : i32
    %add3A_141 = vector.broadcast %add3A_140 : i32 to vector<16xi32>
    %add3A_142 = arith.addi %add3A_141, %rem3A_139 : vector<16xi32>
    %swap3A_143 = arith.constant 20144 : index
    %swap3A_144 = tpu.vector_load %arg6[%swap3A_143] {strides = array<i32>} : memref<20480xi32, #tpu.memory_space<vmem>>, vector<16xi32>,
    tpu.vector_store %arg6[%swap3A_143], %add3A_142 {strides = array<i32>} : memref<20480xi32, #tpu.memory_space<vmem>>, vector<16xi32>,
    %swap3A_145 = arith.constant 20144 : index
    %swap3A_146 = tpu.vector_load %arg7[%swap3A_145] {strides = array<i32>} : memref<20480xi32, #tpu.memory_space<vmem>>, vector<16xi32>,
    tpu.vector_store %arg7[%swap3A_145], %add3A_142 {strides = array<i32>} : memref<20480xi32, #tpu.memory_space<vmem>>, vector<16xi32>,
    %add3A_147 = arith.constant 160 : i32
    %add3A_148 = vector.broadcast %add3A_147 : i32 to vector<16xi32>
    %add3A_149 = arith.addi %iota3A, %add3A_148 : vector<16xi32>
    %rem3A_150 = arith.constant 112 : i32
    %rem3A_151 = vector.broadcast %rem3A_150 : i32 to vector<16xi32>
    %rem3A_152 = arith.remsi %add3A_149, %rem3A_151 : vector<16xi32>
    %add3A_153 = arith.constant 10000 : i32
    %add3A_154 = vector.broadcast %add3A_153 : i32 to vector<16xi32>
    %add3A_155 = arith.addi %add3A_154, %rem3A_152 : vector<16xi32>
    %swap3A_156 = arith.constant 20160 : index
    %swap3A_157 = tpu.vector_load %arg6[%swap3A_156] {strides = array<i32>} : memref<20480xi32, #tpu.memory_space<vmem>>, vector<16xi32>,
    tpu.vector_store %arg6[%swap3A_156], %add3A_155 {strides = array<i32>} : memref<20480xi32, #tpu.memory_space<vmem>>, vector<16xi32>,
    %swap3A_158 = arith.constant 20160 : index
    %swap3A_159 = tpu.vector_load %arg7[%swap3A_158] {strides = array<i32>} : memref<20480xi32, #tpu.memory_space<vmem>>, vector<16xi32>,
    tpu.vector_store %arg7[%swap3A_158], %add3A_155 {strides = array<i32>} : memref<20480xi32, #tpu.memory_space<vmem>>, vector<16xi32>,
    %add3A_160 = arith.constant 176 : i32
    %add3A_161 = vector.broadcast %add3A_160 : i32 to vector<16xi32>
    %add3A_162 = arith.addi %iota3A, %add3A_161 : vector<16xi32>
    %rem3A_163 = arith.constant 112 : i32
    %rem3A_164 = vector.broadcast %rem3A_163 : i32 to vector<16xi32>
    %rem3A_165 = arith.remsi %add3A_162, %rem3A_164 : vector<16xi32>
    %add3A_166 = arith.constant 10000 : i32
    %add3A_167 = vector.broadcast %add3A_166 : i32 to vector<16xi32>
    %add3A_168 = arith.addi %add3A_167, %rem3A_165 : vector<16xi32>
    %swap3A_169 = arith.constant 20176 : index
    %swap3A_170 = tpu.vector_load %arg6[%swap3A_169] {strides = array<i32>} : memref<20480xi32, #tpu.memory_space<vmem>>, vector<16xi32>,
    tpu.vector_store %arg6[%swap3A_169], %add3A_168 {strides = array<i32>} : memref<20480xi32, #tpu.memory_space<vmem>>, vector<16xi32>,
    %swap3A_171 = arith.constant 20176 : index
    %swap3A_172 = tpu.vector_load %arg7[%swap3A_171] {strides = array<i32>} : memref<20480xi32, #tpu.memory_space<vmem>>, vector<16xi32>,
    tpu.vector_store %arg7[%swap3A_171], %add3A_168 {strides = array<i32>} : memref<20480xi32, #tpu.memory_space<vmem>>, vector<16xi32>,
    %add3A_173 = arith.constant 192 : i32
    %add3A_174 = vector.broadcast %add3A_173 : i32 to vector<16xi32>
    %add3A_175 = arith.addi %iota3A, %add3A_174 : vector<16xi32>
    %rem3A_176 = arith.constant 112 : i32
    %rem3A_177 = vector.broadcast %rem3A_176 : i32 to vector<16xi32>
    %rem3A_178 = arith.remsi %add3A_175, %rem3A_177 : vector<16xi32>
    %add3A_179 = arith.constant 10000 : i32
    %add3A_180 = vector.broadcast %add3A_179 : i32 to vector<16xi32>
    %add3A_181 = arith.addi %add3A_180, %rem3A_178 : vector<16xi32>
    %swap3A_182 = arith.constant 20192 : index
    %swap3A_183 = tpu.vector_load %arg6[%swap3A_182] {strides = array<i32>} : memref<20480xi32, #tpu.memory_space<vmem>>, vector<16xi32>,
    tpu.vector_store %arg6[%swap3A_182], %add3A_181 {strides = array<i32>} : memref<20480xi32, #tpu.memory_space<vmem>>, vector<16xi32>,
    %swap3A_184 = arith.constant 20192 : index
    %swap3A_185 = tpu.vector_load %arg7[%swap3A_184] {strides = array<i32>} : memref<20480xi32, #tpu.memory_space<vmem>>, vector<16xi32>,
    tpu.vector_store %arg7[%swap3A_184], %add3A_181 {strides = array<i32>} : memref<20480xi32, #tpu.memory_space<vmem>>, vector<16xi32>,
    %add3A_186 = arith.constant 208 : i32
    %add3A_187 = vector.broadcast %add3A_186 : i32 to vector<16xi32>
    %add3A_188 = arith.addi %iota3A, %add3A_187 : vector<16xi32>
    %rem3A_189 = arith.constant 112 : i32
    %rem3A_190 = vector.broadcast %rem3A_189 : i32 to vector<16xi32>
    %rem3A_191 = arith.remsi %add3A_188, %rem3A_190 : vector<16xi32>
    %add3A_192 = arith.constant 10000 : i32
    %add3A_193 = vector.broadcast %add3A_192 : i32 to vector<16xi32>
    %add3A_194 = arith.addi %add3A_193, %rem3A_191 : vector<16xi32>
    %swap3A_195 = arith.constant 20208 : index
    %swap3A_196 = tpu.vector_load %arg6[%swap3A_195] {strides = array<i32>} : memref<20480xi32, #tpu.memory_space<vmem>>, vector<16xi32>,
    tpu.vector_store %arg6[%swap3A_195], %add3A_194 {strides = array<i32>} : memref<20480xi32, #tpu.memory_space<vmem>>, vector<16xi32>,
    %swap3A_197 = arith.constant 20208 : index
    %swap3A_198 = tpu.vector_load %arg7[%swap3A_197] {strides = array<i32>} : memref<20480xi32, #tpu.memory_space<vmem>>, vector<16xi32>,
    tpu.vector_store %arg7[%swap3A_197], %add3A_194 {strides = array<i32>} : memref<20480xi32, #tpu.memory_space<vmem>>, vector<16xi32>,
    %add3A_199 = arith.constant 224 : i32
    %add3A_200 = vector.broadcast %add3A_199 : i32 to vector<16xi32>
    %add3A_201 = arith.addi %iota3A, %add3A_200 : vector<16xi32>
    %rem3A_202 = arith.constant 112 : i32
    %rem3A_203 = vector.broadcast %rem3A_202 : i32 to vector<16xi32>
    %rem3A_204 = arith.remsi %add3A_201, %rem3A_203 : vector<16xi32>
    %add3A_205 = arith.constant 10000 : i32
    %add3A_206 = vector.broadcast %add3A_205 : i32 to vector<16xi32>
    %add3A_207 = arith.addi %add3A_206, %rem3A_204 : vector<16xi32>
    %swap3A_208 = arith.constant 20224 : index
    %swap3A_209 = tpu.vector_load %arg6[%swap3A_208] {strides = array<i32>} : memref<20480xi32, #tpu.memory_space<vmem>>, vector<16xi32>,
    tpu.vector_store %arg6[%swap3A_208], %add3A_207 {strides = array<i32>} : memref<20480xi32, #tpu.memory_space<vmem>>, vector<16xi32>,
    %swap3A_210 = arith.constant 20224 : index
    %swap3A_211 = tpu.vector_load %arg7[%swap3A_210] {strides = array<i32>} : memref<20480xi32, #tpu.memory_space<vmem>>, vector<16xi32>,
    tpu.vector_store %arg7[%swap3A_210], %add3A_207 {strides = array<i32>} : memref<20480xi32, #tpu.memory_space<vmem>>, vector<16xi32>,
    %add3A_212 = arith.constant 240 : i32
    %add3A_213 = vector.broadcast %add3A_212 : i32 to vector<16xi32>
    %add3A_214 = arith.addi %iota3A, %add3A_213 : vector<16xi32>
    %rem3A_215 = arith.constant 112 : i32
    %rem3A_216 = vector.broadcast %rem3A_215 : i32 to vector<16xi32>
    %rem3A_217 = arith.remsi %add3A_214, %rem3A_216 : vector<16xi32>
    %add3A_218 = arith.constant 10000 : i32
    %add3A_219 = vector.broadcast %add3A_218 : i32 to vector<16xi32>
    %add3A_220 = arith.addi %add3A_219, %rem3A_217 : vector<16xi32>
    %swap3A_221 = arith.constant 20240 : index
    %swap3A_222 = tpu.vector_load %arg6[%swap3A_221] {strides = array<i32>} : memref<20480xi32, #tpu.memory_space<vmem>>, vector<16xi32>,
    tpu.vector_store %arg6[%swap3A_221], %add3A_220 {strides = array<i32>} : memref<20480xi32, #tpu.memory_space<vmem>>, vector<16xi32>,
    %swap3A_223 = arith.constant 20240 : index
    %swap3A_224 = tpu.vector_load %arg7[%swap3A_223] {strides = array<i32>} : memref<20480xi32, #tpu.memory_space<vmem>>, vector<16xi32>,
    tpu.vector_store %arg7[%swap3A_223], %add3A_220 {strides = array<i32>} : memref<20480xi32, #tpu.memory_space<vmem>>, vector<16xi32>,
    %add3A_225 = arith.constant 256 : i32
    %add3A_226 = vector.broadcast %add3A_225 : i32 to vector<16xi32>
    %add3A_227 = arith.addi %iota3A, %add3A_226 : vector<16xi32>
    %rem3A_228 = arith.constant 112 : i32
    %rem3A_229 = vector.broadcast %rem3A_228 : i32 to vector<16xi32>
    %rem3A_230 = arith.remsi %add3A_227, %rem3A_229 : vector<16xi32>
    %add3A_231 = arith.constant 10000 : i32
    %add3A_232 = vector.broadcast %add3A_231 : i32 to vector<16xi32>
    %add3A_233 = arith.addi %add3A_232, %rem3A_230 : vector<16xi32>
    %swap3A_234 = arith.constant 20256 : index
    %swap3A_235 = tpu.vector_load %arg6[%swap3A_234] {strides = array<i32>} : memref<20480xi32, #tpu.memory_space<vmem>>, vector<16xi32>,
    tpu.vector_store %arg6[%swap3A_234], %add3A_233 {strides = array<i32>} : memref<20480xi32, #tpu.memory_space<vmem>>, vector<16xi32>,
    %swap3A_236 = arith.constant 20256 : index
    %swap3A_237 = tpu.vector_load %arg7[%swap3A_236] {strides = array<i32>} : memref<20480xi32, #tpu.memory_space<vmem>>, vector<16xi32>,
    tpu.vector_store %arg7[%swap3A_236], %add3A_233 {strides = array<i32>} : memref<20480xi32, #tpu.memory_space<vmem>>, vector<16xi32>,
    %add3A_238 = arith.constant 272 : i32
    %add3A_239 = vector.broadcast %add3A_238 : i32 to vector<16xi32>
    %add3A_240 = arith.addi %iota3A, %add3A_239 : vector<16xi32>
    %rem3A_241 = arith.constant 112 : i32
    %rem3A_242 = vector.broadcast %rem3A_241 : i32 to vector<16xi32>
    %rem3A_243 = arith.remsi %add3A_240, %rem3A_242 : vector<16xi32>
    %add3A_244 = arith.constant 10000 : i32
    %add3A_245 = vector.broadcast %add3A_244 : i32 to vector<16xi32>
    %add3A_246 = arith.addi %add3A_245, %rem3A_243 : vector<16xi32>
    %swap3A_247 = arith.constant 20272 : index
    %swap3A_248 = tpu.vector_load %arg6[%swap3A_247] {strides = array<i32>} : memref<20480xi32, #tpu.memory_space<vmem>>, vector<16xi32>,
    tpu.vector_store %arg6[%swap3A_247], %add3A_246 {strides = array<i32>} : memref<20480xi32, #tpu.memory_space<vmem>>, vector<16xi32>,
    %swap3A_249 = arith.constant 20272 : index
    %swap3A_250 = tpu.vector_load %arg7[%swap3A_249] {strides = array<i32>} : memref<20480xi32, #tpu.memory_space<vmem>>, vector<16xi32>,
    tpu.vector_store %arg7[%swap3A_249], %add3A_246 {strides = array<i32>} : memref<20480xi32, #tpu.memory_space<vmem>>, vector<16xi32>,
    %add3A_251 = arith.constant 288 : i32
    %add3A_252 = vector.broadcast %add3A_251 : i32 to vector<16xi32>
    %add3A_253 = arith.addi %iota3A, %add3A_252 : vector<16xi32>
    %rem3A_254 = arith.constant 112 : i32
    %rem3A_255 = vector.broadcast %rem3A_254 : i32 to vector<16xi32>
    %rem3A_256 = arith.remsi %add3A_253, %rem3A_255 : vector<16xi32>
    %add3A_257 = arith.constant 10000 : i32
    %add3A_258 = vector.broadcast %add3A_257 : i32 to vector<16xi32>
    %add3A_259 = arith.addi %add3A_258, %rem3A_256 : vector<16xi32>
    %swap3A_260 = arith.constant 20288 : index
    %swap3A_261 = tpu.vector_load %arg6[%swap3A_260] {strides = array<i32>} : memref<20480xi32, #tpu.memory_space<vmem>>, vector<16xi32>,
    tpu.vector_store %arg6[%swap3A_260], %add3A_259 {strides = array<i32>} : memref<20480xi32, #tpu.memory_space<vmem>>, vector<16xi32>,
    %swap3A_262 = arith.constant 20288 : index
    %swap3A_263 = tpu.vector_load %arg7[%swap3A_262] {strides = array<i32>} : memref<20480xi32, #tpu.memory_space<vmem>>, vector<16xi32>,
    tpu.vector_store %arg7[%swap3A_262], %add3A_259 {strides = array<i32>} : memref<20480xi32, #tpu.memory_space<vmem>>, vector<16xi32>,
    %add3A_264 = arith.constant 304 : i32
    %add3A_265 = vector.broadcast %add3A_264 : i32 to vector<16xi32>
    %add3A_266 = arith.addi %iota3A, %add3A_265 : vector<16xi32>
    %rem3A_267 = arith.constant 112 : i32
    %rem3A_268 = vector.broadcast %rem3A_267 : i32 to vector<16xi32>
    %rem3A_269 = arith.remsi %add3A_266, %rem3A_268 : vector<16xi32>
    %add3A_270 = arith.constant 10000 : i32
    %add3A_271 = vector.broadcast %add3A_270 : i32 to vector<16xi32>
    %add3A_272 = arith.addi %add3A_271, %rem3A_269 : vector<16xi32>
    %swap3A_273 = arith.constant 20304 : index
    %swap3A_274 = tpu.vector_load %arg6[%swap3A_273] {strides = array<i32>} : memref<20480xi32, #tpu.memory_space<vmem>>, vector<16xi32>,
    tpu.vector_store %arg6[%swap3A_273], %add3A_272 {strides = array<i32>} : memref<20480xi32, #tpu.memory_space<vmem>>, vector<16xi32>,
    %swap3A_275 = arith.constant 20304 : index
    %swap3A_276 = tpu.vector_load %arg7[%swap3A_275] {strides = array<i32>} : memref<20480xi32, #tpu.memory_space<vmem>>, vector<16xi32>,
    tpu.vector_store %arg7[%swap3A_275], %add3A_272 {strides = array<i32>} : memref<20480xi32, #tpu.memory_space<vmem>>, vector<16xi32>,
    %add3A_277 = arith.constant 320 : i32
    %add3A_278 = vector.broadcast %add3A_277 : i32 to vector<16xi32>
    %add3A_279 = arith.addi %iota3A, %add3A_278 : vector<16xi32>
    %rem3A_280 = arith.constant 112 : i32
    %rem3A_281 = vector.broadcast %rem3A_280 : i32 to vector<16xi32>
    %rem3A_282 = arith.remsi %add3A_279, %rem3A_281 : vector<16xi32>
    %add3A_283 = arith.constant 10000 : i32
    %add3A_284 = vector.broadcast %add3A_283 : i32 to vector<16xi32>
    %add3A_285 = arith.addi %add3A_284, %rem3A_282 : vector<16xi32>
    %swap3A_286 = arith.constant 20320 : index
    %swap3A_287 = tpu.vector_load %arg6[%swap3A_286] {strides = array<i32>} : memref<20480xi32, #tpu.memory_space<vmem>>, vector<16xi32>,
    tpu.vector_store %arg6[%swap3A_286], %add3A_285 {strides = array<i32>} : memref<20480xi32, #tpu.memory_space<vmem>>, vector<16xi32>,
    %swap3A_288 = arith.constant 20320 : index
    %swap3A_289 = tpu.vector_load %arg7[%swap3A_288] {strides = array<i32>} : memref<20480xi32, #tpu.memory_space<vmem>>, vector<16xi32>,
    tpu.vector_store %arg7[%swap3A_288], %add3A_285 {strides = array<i32>} : memref<20480xi32, #tpu.memory_space<vmem>>, vector<16xi32>,
    %add3A_290 = arith.constant 336 : i32
    %add3A_291 = vector.broadcast %add3A_290 : i32 to vector<16xi32>
    %add3A_292 = arith.addi %iota3A, %add3A_291 : vector<16xi32>
    %rem3A_293 = arith.constant 112 : i32
    %rem3A_294 = vector.broadcast %rem3A_293 : i32 to vector<16xi32>
    %rem3A_295 = arith.remsi %add3A_292, %rem3A_294 : vector<16xi32>
    %add3A_296 = arith.constant 10000 : i32
    %add3A_297 = vector.broadcast %add3A_296 : i32 to vector<16xi32>
    %add3A_298 = arith.addi %add3A_297, %rem3A_295 : vector<16xi32>
    %swap3A_299 = arith.constant 20336 : index
    %swap3A_300 = tpu.vector_load %arg6[%swap3A_299] {strides = array<i32>} : memref<20480xi32, #tpu.memory_space<vmem>>, vector<16xi32>,
    tpu.vector_store %arg6[%swap3A_299], %add3A_298 {strides = array<i32>} : memref<20480xi32, #tpu.memory_space<vmem>>, vector<16xi32>,
    %swap3A_301 = arith.constant 20336 : index
    %swap3A_302 = tpu.vector_load %arg7[%swap3A_301] {strides = array<i32>} : memref<20480xi32, #tpu.memory_space<vmem>>, vector<16xi32>,
    tpu.vector_store %arg7[%swap3A_301], %add3A_298 {strides = array<i32>} : memref<20480xi32, #tpu.memory_space<vmem>>, vector<16xi32>,
    %add3A_303 = arith.constant 352 : i32
    %add3A_304 = vector.broadcast %add3A_303 : i32 to vector<16xi32>
    %add3A_305 = arith.addi %iota3A, %add3A_304 : vector<16xi32>
    %rem3A_306 = arith.constant 112 : i32
    %rem3A_307 = vector.broadcast %rem3A_306 : i32 to vector<16xi32>
    %rem3A_308 = arith.remsi %add3A_305, %rem3A_307 : vector<16xi32>
    %add3A_309 = arith.constant 10000 : i32
    %add3A_310 = vector.broadcast %add3A_309 : i32 to vector<16xi32>
    %add3A_311 = arith.addi %add3A_310, %rem3A_308 : vector<16xi32>
    %swap3A_312 = arith.constant 20352 : index
    %swap3A_313 = tpu.vector_load %arg6[%swap3A_312] {strides = array<i32>} : memref<20480xi32, #tpu.memory_space<vmem>>, vector<16xi32>,
    tpu.vector_store %arg6[%swap3A_312], %add3A_311 {strides = array<i32>} : memref<20480xi32, #tpu.memory_space<vmem>>, vector<16xi32>,
    %swap3A_314 = arith.constant 20352 : index
    %swap3A_315 = tpu.vector_load %arg7[%swap3A_314] {strides = array<i32>} : memref<20480xi32, #tpu.memory_space<vmem>>, vector<16xi32>,
    tpu.vector_store %arg7[%swap3A_314], %add3A_311 {strides = array<i32>} : memref<20480xi32, #tpu.memory_space<vmem>>, vector<16xi32>,
    %add3A_316 = arith.constant 368 : i32
    %add3A_317 = vector.broadcast %add3A_316 : i32 to vector<16xi32>
    %add3A_318 = arith.addi %iota3A, %add3A_317 : vector<16xi32>
    %rem3A_319 = arith.constant 112 : i32
    %rem3A_320 = vector.broadcast %rem3A_319 : i32 to vector<16xi32>
    %rem3A_321 = arith.remsi %add3A_318, %rem3A_320 : vector<16xi32>
    %add3A_322 = arith.constant 10000 : i32
    %add3A_323 = vector.broadcast %add3A_322 : i32 to vector<16xi32>
    %add3A_324 = arith.addi %add3A_323, %rem3A_321 : vector<16xi32>
    %swap3A_325 = arith.constant 20368 : index
    %swap3A_326 = tpu.vector_load %arg6[%swap3A_325] {strides = array<i32>} : memref<20480xi32, #tpu.memory_space<vmem>>, vector<16xi32>,
    tpu.vector_store %arg6[%swap3A_325], %add3A_324 {strides = array<i32>} : memref<20480xi32, #tpu.memory_space<vmem>>, vector<16xi32>,
    %swap3A_327 = arith.constant 20368 : index
    %swap3A_328 = tpu.vector_load %arg7[%swap3A_327] {strides = array<i32>} : memref<20480xi32, #tpu.memory_space<vmem>>, vector<16xi32>,
    tpu.vector_store %arg7[%swap3A_327], %add3A_324 {strides = array<i32>} : memref<20480xi32, #tpu.memory_space<vmem>>, vector<16xi32>,
    %add3A_329 = arith.constant 384 : i32
    %add3A_330 = vector.broadcast %add3A_329 : i32 to vector<16xi32>
    %add3A_331 = arith.addi %iota3A, %add3A_330 : vector<16xi32>
    %rem3A_332 = arith.constant 112 : i32
    %rem3A_333 = vector.broadcast %rem3A_332 : i32 to vector<16xi32>
    %rem3A_334 = arith.remsi %add3A_331, %rem3A_333 : vector<16xi32>
    %add3A_335 = arith.constant 10000 : i32
    %add3A_336 = vector.broadcast %add3A_335 : i32 to vector<16xi32>
    %add3A_337 = arith.addi %add3A_336, %rem3A_334 : vector<16xi32>
    %swap3A_338 = arith.constant 20384 : index
    %swap3A_339 = tpu.vector_load %arg6[%swap3A_338] {strides = array<i32>} : memref<20480xi32, #tpu.memory_space<vmem>>, vector<16xi32>,
    tpu.vector_store %arg6[%swap3A_338], %add3A_337 {strides = array<i32>} : memref<20480xi32, #tpu.memory_space<vmem>>, vector<16xi32>,
    %swap3A_340 = arith.constant 20384 : index
    %swap3A_341 = tpu.vector_load %arg7[%swap3A_340] {strides = array<i32>} : memref<20480xi32, #tpu.memory_space<vmem>>, vector<16xi32>,
    tpu.vector_store %arg7[%swap3A_340], %add3A_337 {strides = array<i32>} : memref<20480xi32, #tpu.memory_space<vmem>>, vector<16xi32>,
    %add3A_342 = arith.constant 400 : i32
    %add3A_343 = vector.broadcast %add3A_342 : i32 to vector<16xi32>
    %add3A_344 = arith.addi %iota3A, %add3A_343 : vector<16xi32>
    %rem3A_345 = arith.constant 112 : i32
    %rem3A_346 = vector.broadcast %rem3A_345 : i32 to vector<16xi32>
    %rem3A_347 = arith.remsi %add3A_344, %rem3A_346 : vector<16xi32>
    %add3A_348 = arith.constant 10000 : i32
    %add3A_349 = vector.broadcast %add3A_348 : i32 to vector<16xi32>
    %add3A_350 = arith.addi %add3A_349, %rem3A_347 : vector<16xi32>
    %swap3A_351 = arith.constant 20400 : index
    %swap3A_352 = tpu.vector_load %arg6[%swap3A_351] {strides = array<i32>} : memref<20480xi32, #tpu.memory_space<vmem>>, vector<16xi32>,
    tpu.vector_store %arg6[%swap3A_351], %add3A_350 {strides = array<i32>} : memref<20480xi32, #tpu.memory_space<vmem>>, vector<16xi32>,
    %swap3A_353 = arith.constant 20400 : index
    %swap3A_354 = tpu.vector_load %arg7[%swap3A_353] {strides = array<i32>} : memref<20480xi32, #tpu.memory_space<vmem>>, vector<16xi32>,
    tpu.vector_store %arg7[%swap3A_353], %add3A_350 {strides = array<i32>} : memref<20480xi32, #tpu.memory_space<vmem>>, vector<16xi32>,
    %add3A_355 = arith.constant 416 : i32
    %add3A_356 = vector.broadcast %add3A_355 : i32 to vector<16xi32>
    %add3A_357 = arith.addi %iota3A, %add3A_356 : vector<16xi32>
    %rem3A_358 = arith.constant 112 : i32
    %rem3A_359 = vector.broadcast %rem3A_358 : i32 to vector<16xi32>
    %rem3A_360 = arith.remsi %add3A_357, %rem3A_359 : vector<16xi32>
    %add3A_361 = arith.constant 10000 : i32
    %add3A_362 = vector.broadcast %add3A_361 : i32 to vector<16xi32>
    %add3A_363 = arith.addi %add3A_362, %rem3A_360 : vector<16xi32>
    %swap3A_364 = arith.constant 20416 : index
    %swap3A_365 = tpu.vector_load %arg6[%swap3A_364] {strides = array<i32>} : memref<20480xi32, #tpu.memory_space<vmem>>, vector<16xi32>,
    tpu.vector_store %arg6[%swap3A_364], %add3A_363 {strides = array<i32>} : memref<20480xi32, #tpu.memory_space<vmem>>, vector<16xi32>,
    %swap3A_366 = arith.constant 20416 : index
    %swap3A_367 = tpu.vector_load %arg7[%swap3A_366] {strides = array<i32>} : memref<20480xi32, #tpu.memory_space<vmem>>, vector<16xi32>,
    tpu.vector_store %arg7[%swap3A_366], %add3A_363 {strides = array<i32>} : memref<20480xi32, #tpu.memory_space<vmem>>, vector<16xi32>,
    %add3A_368 = arith.constant 432 : i32
    %add3A_369 = vector.broadcast %add3A_368 : i32 to vector<16xi32>
    %add3A_370 = arith.addi %iota3A, %add3A_369 : vector<16xi32>
    %rem3A_371 = arith.constant 112 : i32
    %rem3A_372 = vector.broadcast %rem3A_371 : i32 to vector<16xi32>
    %rem3A_373 = arith.remsi %add3A_370, %rem3A_372 : vector<16xi32>
    %add3A_374 = arith.constant 10000 : i32
    %add3A_375 = vector.broadcast %add3A_374 : i32 to vector<16xi32>
    %add3A_376 = arith.addi %add3A_375, %rem3A_373 : vector<16xi32>
    %swap3A_377 = arith.constant 20432 : index
    %swap3A_378 = tpu.vector_load %arg6[%swap3A_377] {strides = array<i32>} : memref<20480xi32, #tpu.memory_space<vmem>>, vector<16xi32>,
    tpu.vector_store %arg6[%swap3A_377], %add3A_376 {strides = array<i32>} : memref<20480xi32, #tpu.memory_space<vmem>>, vector<16xi32>,
    %swap3A_379 = arith.constant 20432 : index
    %swap3A_380 = tpu.vector_load %arg7[%swap3A_379] {strides = array<i32>} : memref<20480xi32, #tpu.memory_space<vmem>>, vector<16xi32>,
    tpu.vector_store %arg7[%swap3A_379], %add3A_376 {strides = array<i32>} : memref<20480xi32, #tpu.memory_space<vmem>>, vector<16xi32>,
    %add3A_381 = arith.constant 448 : i32
    %add3A_382 = vector.broadcast %add3A_381 : i32 to vector<16xi32>
    %add3A_383 = arith.addi %iota3A, %add3A_382 : vector<16xi32>
    %rem3A_384 = arith.constant 112 : i32
    %rem3A_385 = vector.broadcast %rem3A_384 : i32 to vector<16xi32>
    %rem3A_386 = arith.remsi %add3A_383, %rem3A_385 : vector<16xi32>
    %add3A_387 = arith.constant 10000 : i32
    %add3A_388 = vector.broadcast %add3A_387 : i32 to vector<16xi32>
    %add3A_389 = arith.addi %add3A_388, %rem3A_386 : vector<16xi32>
    %swap3A_390 = arith.constant 20448 : index
    %swap3A_391 = tpu.vector_load %arg6[%swap3A_390] {strides = array<i32>} : memref<20480xi32, #tpu.memory_space<vmem>>, vector<16xi32>,
    tpu.vector_store %arg6[%swap3A_390], %add3A_389 {strides = array<i32>} : memref<20480xi32, #tpu.memory_space<vmem>>, vector<16xi32>,
    %swap3A_392 = arith.constant 20448 : index
    %swap3A_393 = tpu.vector_load %arg7[%swap3A_392] {strides = array<i32>} : memref<20480xi32, #tpu.memory_space<vmem>>, vector<16xi32>,
    tpu.vector_store %arg7[%swap3A_392], %add3A_389 {strides = array<i32>} : memref<20480xi32, #tpu.memory_space<vmem>>, vector<16xi32>,
    %add3A_394 = arith.constant 464 : i32
    %add3A_395 = vector.broadcast %add3A_394 : i32 to vector<16xi32>
    %add3A_396 = arith.addi %iota3A, %add3A_395 : vector<16xi32>
    %rem3A_397 = arith.constant 112 : i32
    %rem3A_398 = vector.broadcast %rem3A_397 : i32 to vector<16xi32>
    %rem3A_399 = arith.remsi %add3A_396, %rem3A_398 : vector<16xi32>
    %add3A_400 = arith.constant 10000 : i32
    %add3A_401 = vector.broadcast %add3A_400 : i32 to vector<16xi32>
    %add3A_402 = arith.addi %add3A_401, %rem3A_399 : vector<16xi32>
    %swap3A_403 = arith.constant 20464 : index
    %swap3A_404 = tpu.vector_load %arg6[%swap3A_403] {strides = array<i32>} : memref<20480xi32, #tpu.memory_space<vmem>>, vector<16xi32>,
    tpu.vector_store %arg6[%swap3A_403], %add3A_402 {strides = array<i32>} : memref<20480xi32, #tpu.memory_space<vmem>>, vector<16xi32>,
    %swap3A_405 = arith.constant 20464 : index
    %swap3A_406 = tpu.vector_load %arg7[%swap3A_405] {strides = array<i32>} : memref<20480xi32, #tpu.memory_space<vmem>>, vector<16xi32>,
    tpu.vector_store %arg7[%swap3A_405], %add3A_402 {strides = array<i32>} : memref<20480xi32, #tpu.memory_space<vmem>>, vector<16xi32>,
    %mul3A_407 = arith.constant 632 : i32
    %mul3A_408 = arith.muli %arg1, %mul3A_407 : i32
    %add3A_409 = arith.constant 0 : i32
    %add3A_410 = arith.addi %mul3A_408, %add3A_409 : i32
    "tpu.region"() ({
      %run_scoped3A = tpu.sem_alloc : memref<!tpu.dma_semaphore, #tpu.memory_space<semaphore_mem>>
      %dma_start3A_438 = arith.constant 0 : i32
      %dma_start3A_439 = arith.constant 0 : i32
      %dma_start3A_440 = tpu.memref_slice %arg8[%dma_start3A_438, %dma_start3A_439] : memref<128x64xf32, #tpu.memory_space<vmem>> -> memref<128x64xf32, #tpu.memory_space<vmem>>
      %dma_start3A_441 = arith.constant 0 : i32
      %dma_start3A_442 = tpu.memref_slice %arg12[%add3A_410, %dma_start3A_441] : memref<10112x64xf32, #tpu.memory_space<vmem_shared>> -> memref<128x64xf32, #tpu.memory_space<vmem_shared>>
      %dma_start3A_443 = arith.constant 0 : i32
      %dma_start3A_444 = tpu.memref_slice %arg12[%add3A_410, %dma_start3A_443] : memref<10112x64xf32, #tpu.memory_space<vmem_shared>> -> memref<128x64xf32, #tpu.memory_space<vmem_shared>>
      %dma_start3A_445 = arith.constant 0 : i32
      %dma_start3A_446 = arith.constant 0 : i32
      %dma_start3A_447 = tpu.memref_slice %arg8[%dma_start3A_445, %dma_start3A_446] : memref<128x64xf32, #tpu.memory_space<vmem>> -> memref<128x64xf32, #tpu.memory_space<vmem>>
      tpu.enqueue_dma source(%dma_start3A_447 : memref<128x64xf32, #tpu.memory_space<vmem>>) target(%dma_start3A_444 : memref<128x64xf32, #tpu.memory_space<vmem_shared>>) target_semaphore(%run_scoped3A : memref<!tpu.dma_semaphore, #tpu.memory_space<semaphore_mem>>)
      %dma_wait3A_448 = arith.constant 0 : i32
      %dma_wait3A_449 = arith.constant 0 : i32
      %dma_wait3A_450 = tpu.memref_slice %arg8[%dma_wait3A_448, %dma_wait3A_449] : memref<128x64xf32, #tpu.memory_space<vmem>> -> memref<128x64xf32, #tpu.memory_space<vmem>>
      %dma_wait3A_451 = arith.constant 0 : i32
      %dma_wait3A_452 = tpu.memref_slice %arg12[%add3A_410, %dma_wait3A_451] : memref<10112x64xf32, #tpu.memory_space<vmem_shared>> -> memref<128x64xf32, #tpu.memory_space<vmem_shared>>
      %dma_wait3A_453 = arith.constant 0 : i32
      %dma_wait3A_454 = tpu.memref_slice %arg12[%add3A_410, %dma_wait3A_453] : memref<10112x64xf32, #tpu.memory_space<vmem_shared>> -> memref<128x64xf32, #tpu.memory_space<vmem_shared>>
      %dma_wait3A_455 = arith.constant 0 : i32
      %dma_wait3A_456 = arith.constant 0 : i32
      %dma_wait3A_457 = tpu.memref_slice %arg8[%dma_wait3A_455, %dma_wait3A_456] : memref<128x64xf32, #tpu.memory_space<vmem>> -> memref<128x64xf32, #tpu.memory_space<vmem>>
      tpu.wait_dma2 semaphore(%run_scoped3A : memref<!tpu.dma_semaphore, #tpu.memory_space<semaphore_mem>>) src(%dma_wait3A_457 : memref<128x64xf32, #tpu.memory_space<vmem>>) dst(%dma_wait3A_454 : memref<128x64xf32, #tpu.memory_space<vmem_shared>>)
      tpu.yield
    }) : () -> ()
    %add3A_411 = arith.constant 128 : i32
    %add3A_412 = arith.addi %mul3A_408, %add3A_411 : i32
    "tpu.region"() ({
      %run_scoped3A = tpu.sem_alloc : memref<!tpu.dma_semaphore, #tpu.memory_space<semaphore_mem>>
      %dma_start3A_438 = arith.constant 0 : i32
      %dma_start3A_439 = arith.constant 0 : i32
      %dma_start3A_440 = tpu.memref_slice %arg8[%dma_start3A_438, %dma_start3A_439] : memref<128x64xf32, #tpu.memory_space<vmem>> -> memref<128x64xf32, #tpu.memory_space<vmem>>
      %dma_start3A_441 = arith.constant 0 : i32
      %dma_start3A_442 = tpu.memref_slice %arg12[%add3A_412, %dma_start3A_441] : memref<10112x64xf32, #tpu.memory_space<vmem_shared>> -> memref<128x64xf32, #tpu.memory_space<vmem_shared>>
      %dma_start3A_443 = arith.constant 0 : i32
      %dma_start3A_444 = tpu.memref_slice %arg12[%add3A_412, %dma_start3A_443] : memref<10112x64xf32, #tpu.memory_space<vmem_shared>> -> memref<128x64xf32, #tpu.memory_space<vmem_shared>>
      %dma_start3A_445 = arith.constant 0 : i32
      %dma_start3A_446 = arith.constant 0 : i32
      %dma_start3A_447 = tpu.memref_slice %arg8[%dma_start3A_445, %dma_start3A_446] : memref<128x64xf32, #tpu.memory_space<vmem>> -> memref<128x64xf32, #tpu.memory_space<vmem>>
      tpu.enqueue_dma source(%dma_start3A_447 : memref<128x64xf32, #tpu.memory_space<vmem>>) target(%dma_start3A_444 : memref<128x64xf32, #tpu.memory_space<vmem_shared>>) target_semaphore(%run_scoped3A : memref<!tpu.dma_semaphore, #tpu.memory_space<semaphore_mem>>)
      %dma_wait3A_448 = arith.constant 0 : i32
      %dma_wait3A_449 = arith.constant 0 : i32
      %dma_wait3A_450 = tpu.memref_slice %arg8[%dma_wait3A_448, %dma_wait3A_449] : memref<128x64xf32, #tpu.memory_space<vmem>> -> memref<128x64xf32, #tpu.memory_space<vmem>>
      %dma_wait3A_451 = arith.constant 0 : i32
      %dma_wait3A_452 = tpu.memref_slice %arg12[%add3A_412, %dma_wait3A_451] : memref<10112x64xf32, #tpu.memory_space<vmem_shared>> -> memref<128x64xf32, #tpu.memory_space<vmem_shared>>
      %dma_wait3A_453 = arith.constant 0 : i32
      %dma_wait3A_454 = tpu.memref_slice %arg12[%add3A_412, %dma_wait3A_453] : memref<10112x64xf32, #tpu.memory_space<vmem_shared>> -> memref<128x64xf32, #tpu.memory_space<vmem_shared>>
      %dma_wait3A_455 = arith.constant 0 : i32
      %dma_wait3A_456 = arith.constant 0 : i32
      %dma_wait3A_457 = tpu.memref_slice %arg8[%dma_wait3A_455, %dma_wait3A_456] : memref<128x64xf32, #tpu.memory_space<vmem>> -> memref<128x64xf32, #tpu.memory_space<vmem>>
      tpu.wait_dma2 semaphore(%run_scoped3A : memref<!tpu.dma_semaphore, #tpu.memory_space<semaphore_mem>>) src(%dma_wait3A_457 : memref<128x64xf32, #tpu.memory_space<vmem>>) dst(%dma_wait3A_454 : memref<128x64xf32, #tpu.memory_space<vmem_shared>>)
      tpu.yield
    }) : () -> ()
    %add3A_413 = arith.constant 256 : i32
    %add3A_414 = arith.addi %mul3A_408, %add3A_413 : i32
    "tpu.region"() ({
      %run_scoped3A = tpu.sem_alloc : memref<!tpu.dma_semaphore, #tpu.memory_space<semaphore_mem>>
      %dma_start3A_438 = arith.constant 0 : i32
      %dma_start3A_439 = arith.constant 0 : i32
      %dma_start3A_440 = tpu.memref_slice %arg8[%dma_start3A_438, %dma_start3A_439] : memref<128x64xf32, #tpu.memory_space<vmem>> -> memref<128x64xf32, #tpu.memory_space<vmem>>
      %dma_start3A_441 = arith.constant 0 : i32
      %dma_start3A_442 = tpu.memref_slice %arg12[%add3A_414, %dma_start3A_441] : memref<10112x64xf32, #tpu.memory_space<vmem_shared>> -> memref<128x64xf32, #tpu.memory_space<vmem_shared>>
      %dma_start3A_443 = arith.constant 0 : i32
      %dma_start3A_444 = tpu.memref_slice %arg12[%add3A_414, %dma_start3A_443] : memref<10112x64xf32, #tpu.memory_space<vmem_shared>> -> memref<128x64xf32, #tpu.memory_space<vmem_shared>>
      %dma_start3A_445 = arith.constant 0 : i32
      %dma_start3A_446 = arith.constant 0 : i32
      %dma_start3A_447 = tpu.memref_slice %arg8[%dma_start3A_445, %dma_start3A_446] : memref<128x64xf32, #tpu.memory_space<vmem>> -> memref<128x64xf32, #tpu.memory_space<vmem>>
      tpu.enqueue_dma source(%dma_start3A_447 : memref<128x64xf32, #tpu.memory_space<vmem>>) target(%dma_start3A_444 : memref<128x64xf32, #tpu.memory_space<vmem_shared>>) target_semaphore(%run_scoped3A : memref<!tpu.dma_semaphore, #tpu.memory_space<semaphore_mem>>)
      %dma_wait3A_448 = arith.constant 0 : i32
      %dma_wait3A_449 = arith.constant 0 : i32
      %dma_wait3A_450 = tpu.memref_slice %arg8[%dma_wait3A_448, %dma_wait3A_449] : memref<128x64xf32, #tpu.memory_space<vmem>> -> memref<128x64xf32, #tpu.memory_space<vmem>>
      %dma_wait3A_451 = arith.constant 0 : i32
      %dma_wait3A_452 = tpu.memref_slice %arg12[%add3A_414, %dma_wait3A_451] : memref<10112x64xf32, #tpu.memory_space<vmem_shared>> -> memref<128x64xf32, #tpu.memory_space<vmem_shared>>
      %dma_wait3A_453 = arith.constant 0 : i32
      %dma_wait3A_454 = tpu.memref_slice %arg12[%add3A_414, %dma_wait3A_453] : memref<10112x64xf32, #tpu.memory_space<vmem_shared>> -> memref<128x64xf32, #tpu.memory_space<vmem_shared>>
      %dma_wait3A_455 = arith.constant 0 : i32
      %dma_wait3A_456 = arith.constant 0 : i32
      %dma_wait3A_457 = tpu.memref_slice %arg8[%dma_wait3A_455, %dma_wait3A_456] : memref<128x64xf32, #tpu.memory_space<vmem>> -> memref<128x64xf32, #tpu.memory_space<vmem>>
      tpu.wait_dma2 semaphore(%run_scoped3A : memref<!tpu.dma_semaphore, #tpu.memory_space<semaphore_mem>>) src(%dma_wait3A_457 : memref<128x64xf32, #tpu.memory_space<vmem>>) dst(%dma_wait3A_454 : memref<128x64xf32, #tpu.memory_space<vmem_shared>>)
      tpu.yield
    }) : () -> ()
    %add3A_415 = arith.constant 384 : i32
    %add3A_416 = arith.addi %mul3A_408, %add3A_415 : i32
    "tpu.region"() ({
      %run_scoped3A = tpu.sem_alloc : memref<!tpu.dma_semaphore, #tpu.memory_space<semaphore_mem>>
      %dma_start3A_438 = arith.constant 0 : i32
      %dma_start3A_439 = arith.constant 0 : i32
      %dma_start3A_440 = tpu.memref_slice %arg8[%dma_start3A_438, %dma_start3A_439] : memref<128x64xf32, #tpu.memory_space<vmem>> -> memref<128x64xf32, #tpu.memory_space<vmem>>
      %dma_start3A_441 = arith.constant 0 : i32
      %dma_start3A_442 = tpu.memref_slice %arg12[%add3A_416, %dma_start3A_441] : memref<10112x64xf32, #tpu.memory_space<vmem_shared>> -> memref<128x64xf32, #tpu.memory_space<vmem_shared>>
      %dma_start3A_443 = arith.constant 0 : i32
      %dma_start3A_444 = tpu.memref_slice %arg12[%add3A_416, %dma_start3A_443] : memref<10112x64xf32, #tpu.memory_space<vmem_shared>> -> memref<128x64xf32, #tpu.memory_space<vmem_shared>>
      %dma_start3A_445 = arith.constant 0 : i32
      %dma_start3A_446 = arith.constant 0 : i32
      %dma_start3A_447 = tpu.memref_slice %arg8[%dma_start3A_445, %dma_start3A_446] : memref<128x64xf32, #tpu.memory_space<vmem>> -> memref<128x64xf32, #tpu.memory_space<vmem>>
      tpu.enqueue_dma source(%dma_start3A_447 : memref<128x64xf32, #tpu.memory_space<vmem>>) target(%dma_start3A_444 : memref<128x64xf32, #tpu.memory_space<vmem_shared>>) target_semaphore(%run_scoped3A : memref<!tpu.dma_semaphore, #tpu.memory_space<semaphore_mem>>)
      %dma_wait3A_448 = arith.constant 0 : i32
      %dma_wait3A_449 = arith.constant 0 : i32
      %dma_wait3A_450 = tpu.memref_slice %arg8[%dma_wait3A_448, %dma_wait3A_449] : memref<128x64xf32, #tpu.memory_space<vmem>> -> memref<128x64xf32, #tpu.memory_space<vmem>>
      %dma_wait3A_451 = arith.constant 0 : i32
      %dma_wait3A_452 = tpu.memref_slice %arg12[%add3A_416, %dma_wait3A_451] : memref<10112x64xf32, #tpu.memory_space<vmem_shared>> -> memref<128x64xf32, #tpu.memory_space<vmem_shared>>
      %dma_wait3A_453 = arith.constant 0 : i32
      %dma_wait3A_454 = tpu.memref_slice %arg12[%add3A_416, %dma_wait3A_453] : memref<10112x64xf32, #tpu.memory_space<vmem_shared>> -> memref<128x64xf32, #tpu.memory_space<vmem_shared>>
      %dma_wait3A_455 = arith.constant 0 : i32
      %dma_wait3A_456 = arith.constant 0 : i32
      %dma_wait3A_457 = tpu.memref_slice %arg8[%dma_wait3A_455, %dma_wait3A_456] : memref<128x64xf32, #tpu.memory_space<vmem>> -> memref<128x64xf32, #tpu.memory_space<vmem>>
      tpu.wait_dma2 semaphore(%run_scoped3A : memref<!tpu.dma_semaphore, #tpu.memory_space<semaphore_mem>>) src(%dma_wait3A_457 : memref<128x64xf32, #tpu.memory_space<vmem>>) dst(%dma_wait3A_454 : memref<128x64xf32, #tpu.memory_space<vmem_shared>>)
      tpu.yield
    }) : () -> ()
    %add3A_417 = arith.constant 512 : i32
    %add3A_418 = arith.addi %mul3A_408, %add3A_417 : i32
    "tpu.region"() ({
      %run_scoped3A = tpu.sem_alloc : memref<!tpu.dma_semaphore, #tpu.memory_space<semaphore_mem>>
      %dma_start3A_438 = arith.constant 0 : i32
      %dma_start3A_439 = arith.constant 0 : i32
      %dma_start3A_440 = tpu.memref_slice %arg8[%dma_start3A_438, %dma_start3A_439] : memref<128x64xf32, #tpu.memory_space<vmem>> -> memref<120x64xf32, #tpu.memory_space<vmem>>
      %dma_start3A_441 = arith.constant 0 : i32
      %dma_start3A_442 = tpu.memref_slice %arg12[%add3A_418, %dma_start3A_441] : memref<10112x64xf32, #tpu.memory_space<vmem_shared>> -> memref<120x64xf32, #tpu.memory_space<vmem_shared>>
      %dma_start3A_443 = arith.constant 0 : i32
      %dma_start3A_444 = tpu.memref_slice %arg12[%add3A_418, %dma_start3A_443] : memref<10112x64xf32, #tpu.memory_space<vmem_shared>> -> memref<120x64xf32, #tpu.memory_space<vmem_shared>>
      %dma_start3A_445 = arith.constant 0 : i32
      %dma_start3A_446 = arith.constant 0 : i32
      %dma_start3A_447 = tpu.memref_slice %arg8[%dma_start3A_445, %dma_start3A_446] : memref<128x64xf32, #tpu.memory_space<vmem>> -> memref<120x64xf32, #tpu.memory_space<vmem>>
      tpu.enqueue_dma source(%dma_start3A_447 : memref<120x64xf32, #tpu.memory_space<vmem>>) target(%dma_start3A_444 : memref<120x64xf32, #tpu.memory_space<vmem_shared>>) target_semaphore(%run_scoped3A : memref<!tpu.dma_semaphore, #tpu.memory_space<semaphore_mem>>)
      %dma_wait3A_448 = arith.constant 0 : i32
      %dma_wait3A_449 = arith.constant 0 : i32
      %dma_wait3A_450 = tpu.memref_slice %arg8[%dma_wait3A_448, %dma_wait3A_449] : memref<128x64xf32, #tpu.memory_space<vmem>> -> memref<120x64xf32, #tpu.memory_space<vmem>>
      %dma_wait3A_451 = arith.constant 0 : i32
      %dma_wait3A_452 = tpu.memref_slice %arg12[%add3A_418, %dma_wait3A_451] : memref<10112x64xf32, #tpu.memory_space<vmem_shared>> -> memref<120x64xf32, #tpu.memory_space<vmem_shared>>
      %dma_wait3A_453 = arith.constant 0 : i32
      %dma_wait3A_454 = tpu.memref_slice %arg12[%add3A_418, %dma_wait3A_453] : memref<10112x64xf32, #tpu.memory_space<vmem_shared>> -> memref<120x64xf32, #tpu.memory_space<vmem_shared>>
      %dma_wait3A_455 = arith.constant 0 : i32
      %dma_wait3A_456 = arith.constant 0 : i32
      %dma_wait3A_457 = tpu.memref_slice %arg8[%dma_wait3A_455, %dma_wait3A_456] : memref<128x64xf32, #tpu.memory_space<vmem>> -> memref<120x64xf32, #tpu.memory_space<vmem>>
      tpu.wait_dma2 semaphore(%run_scoped3A : memref<!tpu.dma_semaphore, #tpu.memory_space<semaphore_mem>>) src(%dma_wait3A_457 : memref<120x64xf32, #tpu.memory_space<vmem>>) dst(%dma_wait3A_454 : memref<120x64xf32, #tpu.memory_space<vmem_shared>>)
      tpu.yield
    }) : () -> ()
    %barrier3A = arith.constant 0 : index
    tpu.barrier barrier_id(%barrier3A)
    %dma_wait3A = arith.constant 0 : i32
    %dma_wait3A_419 = tpu.memref_slice %arg6[%dma_wait3A] : memref<20480xi32, #tpu.memory_space<vmem>> -> memref<20000xi32, #tpu.memory_space<vmem>>
    %dma_wait3A_420 = tpu.memref_slice %arg3[%mul3A_1] : memref<320000xi32, #tpu.memory_space<hbm>> -> memref<20000xi32, #tpu.memory_space<hbm>>
    %dma_wait3A_421 = arith.constant 0 : i32
    %dma_wait3A_422 = tpu.memref_slice %arg6[%dma_wait3A_421] : memref<20480xi32, #tpu.memory_space<vmem>> -> memref<20000xi32, #tpu.memory_space<vmem>>
    %dma_wait3A_423 = tpu.memref_slice %arg3[%mul3A_1] : memref<320000xi32, #tpu.memory_space<hbm>> -> memref<20000xi32, #tpu.memory_space<hbm>>
    tpu.wait_dma2 semaphore(%arg21 : memref<!tpu.dma_semaphore, #tpu.memory_space<semaphore_mem>>) src(%dma_wait3A_423 : memref<20000xi32, #tpu.memory_space<hbm>>) dst(%dma_wait3A_422 : memref<20000xi32, #tpu.memory_space<vmem>>)
    %dma_wait3A_424 = arith.constant 0 : i32
    %dma_wait3A_425 = tpu.memref_slice %arg7[%dma_wait3A_424] : memref<20480xi32, #tpu.memory_space<vmem>> -> memref<20000xi32, #tpu.memory_space<vmem>>
    %dma_wait3A_426 = tpu.memref_slice %arg4[%mul3A_8] : memref<320000xi32, #tpu.memory_space<hbm>> -> memref<20000xi32, #tpu.memory_space<hbm>>
    %dma_wait3A_427 = arith.constant 0 : i32
    %dma_wait3A_428 = tpu.memref_slice %arg7[%dma_wait3A_427] : memref<20480xi32, #tpu.memory_space<vmem>> -> memref<20000xi32, #tpu.memory_space<vmem>>
    %dma_wait3A_429 = tpu.memref_slice %arg4[%mul3A_8] : memref<320000xi32, #tpu.memory_space<hbm>> -> memref<20000xi32, #tpu.memory_space<hbm>>
    tpu.wait_dma2 semaphore(%arg22 : memref<!tpu.dma_semaphore, #tpu.memory_space<semaphore_mem>>) src(%dma_wait3A_429 : memref<20000xi32, #tpu.memory_space<hbm>>) dst(%dma_wait3A_428 : memref<20000xi32, #tpu.memory_space<vmem>>)
    %eq3A = arith.constant 0 : i32
    %eq3A_430 = arith.cmpi eq, %arg0, %eq3A : i32
    %convert_element_type3A = arith.extui %eq3A_430 : i1 to i32
    %cond3A = arith.constant 0 : i32
    %cond3A_431 = arith.cmpi ne, %convert_element_type3A, %cond3A : i32
    scf.if %cond3A_431 {
      %dma_start3A_438 = arith.constant 0 : i32
      %dma_start3A_439 = arith.constant 0 : i32
      %dma_start3A_440 = tpu.memref_slice %arg6[%dma_start3A_439] : memref<20480xi32, #tpu.memory_space<vmem>> -> memref<128xi32, #tpu.memory_space<vmem>>
      %dma_start3A_441 = arith.constant 0 : i32
      %dma_start3A_442 = arith.constant 0 : i32
      %dma_start3A_443 = tpu.memref_slice %arg2[%dma_start3A_438, %dma_start3A_441, %dma_start3A_442] : memref<2x10112x64xf32, #tpu.memory_space<hbm>> -> memref<1x10112x64xf32, #tpu.memory_space<hbm>>
      %dma_start3A_444 = tpu.memref_squeeze %dma_start3A_443 : memref<1x10112x64xf32, #tpu.memory_space<hbm>> -> memref<10112x64xf32, #tpu.memory_space<hbm>>
      %dma_start3A_445 = arith.constant 0 : i32
      %dma_start3A_446 = arith.constant 0 : i32
      %dma_start3A_447 = tpu.memref_slice %dma_start3A_444[%dma_start3A_445, %dma_start3A_446] : memref<10112x64xf32, #tpu.memory_space<hbm>> -> memref<10112x64xf32, #tpu.memory_space<hbm>>
      tpu.enqueue_indirect_dma source(%dma_start3A_447 : memref<10112x64xf32, #tpu.memory_space<hbm>>) target(%arg8 : memref<128x64xf32, #tpu.memory_space<vmem>>) offsets(%dma_start3A_440 : memref<128xi32, #tpu.memory_space<vmem>>) semaphore(%arg13 : memref<!tpu.dma_semaphore, #tpu.memory_space<semaphore_mem>>)
      %dma_start3A_448 = arith.constant 0 : i32
      %dma_start3A_449 = arith.constant 128 : i32
      %dma_start3A_450 = tpu.memref_slice %arg6[%dma_start3A_449] : memref<20480xi32, #tpu.memory_space<vmem>> -> memref<128xi32, #tpu.memory_space<vmem>>
      %dma_start3A_451 = arith.constant 0 : i32
      %dma_start3A_452 = arith.constant 0 : i32
      %dma_start3A_453 = tpu.memref_slice %arg2[%dma_start3A_448, %dma_start3A_451, %dma_start3A_452] : memref<2x10112x64xf32, #tpu.memory_space<hbm>> -> memref<1x10112x64xf32, #tpu.memory_space<hbm>>
      %dma_start3A_454 = tpu.memref_squeeze %dma_start3A_453 : memref<1x10112x64xf32, #tpu.memory_space<hbm>> -> memref<10112x64xf32, #tpu.memory_space<hbm>>
      %dma_start3A_455 = arith.constant 0 : i32
      %dma_start3A_456 = arith.constant 0 : i32
      %dma_start3A_457 = tpu.memref_slice %dma_start3A_454[%dma_start3A_455, %dma_start3A_456] : memref<10112x64xf32, #tpu.memory_space<hbm>> -> memref<10112x64xf32, #tpu.memory_space<hbm>>
      tpu.enqueue_indirect_dma source(%dma_start3A_457 : memref<10112x64xf32, #tpu.memory_space<hbm>>) target(%arg9 : memref<128x64xf32, #tpu.memory_space<vmem>>) offsets(%dma_start3A_450 : memref<128xi32, #tpu.memory_space<vmem>>) semaphore(%arg14 : memref<!tpu.dma_semaphore, #tpu.memory_space<semaphore_mem>>)
      %scan3A_458 = arith.constant 0 : i32
      %scan3A_459 = arith.constant 0 : i32
      %scan3A_460 = arith.constant 0 : i32
      %scan3A_461 = arith.constant 40 : i32
      %scan3A_462 = arith.addi %scan3A_460, %scan3A_461 : i32
      %scan3A_463 = arith.constant 1 : i32
      scf.for %scan3A_475 = %scan3A_460 to %scan3A_462 step %scan3A_463  : i32 {
        %mul3A_476 = arith.constant 2 : i32
        %mul3A_477 = arith.muli %mul3A_476, %scan3A_475 : i32
        %mul3A_478 = arith.constant 2 : i32
        %mul3A_479 = arith.muli %mul3A_477, %mul3A_478 : i32
        %dma_wait3A_480 = arith.constant 0 : i32
        %dma_wait3A_481 = tpu.memref_slice %arg6[%dma_wait3A_480] : memref<20480xi32, #tpu.memory_space<vmem>> -> memref<128xi32, #tpu.memory_space<vmem>>
        %dma_wait3A_482 = arith.constant 0 : i32
        %dma_wait3A_483 = arith.constant 0 : i32
        %dma_wait3A_484 = tpu.memref_slice %arg2[%scan3A_459, %dma_wait3A_482, %dma_wait3A_483] : memref<2x10112x64xf32, #tpu.memory_space<hbm>> -> memref<1x10112x64xf32, #tpu.memory_space<hbm>>
        %dma_wait3A_485 = tpu.memref_squeeze %dma_wait3A_484 : memref<1x10112x64xf32, #tpu.memory_space<hbm>> -> memref<10112x64xf32, #tpu.memory_space<hbm>>
        %dma_wait3A_486 = arith.constant 0 : i32
        %dma_wait3A_487 = arith.constant 0 : i32
        %dma_wait3A_488 = tpu.memref_slice %dma_wait3A_485[%dma_wait3A_486, %dma_wait3A_487] : memref<10112x64xf32, #tpu.memory_space<hbm>> -> memref<10112x64xf32, #tpu.memory_space<hbm>>
        tpu.wait_indirect_dma semaphore(%arg13 : memref<!tpu.dma_semaphore, #tpu.memory_space<semaphore_mem>>) src(%dma_wait3A_488 : memref<10112x64xf32, #tpu.memory_space<hbm>>) dst(%arg8 : memref<128x64xf32, #tpu.memory_space<vmem>>)
        %add3A_489 = arith.constant 0 : i32
        %add3A_490 = arith.addi %mul3A_479, %add3A_489 : i32
        %mul3A_491 = arith.constant 128 : i32
        %mul3A_492 = arith.muli %add3A_490, %mul3A_491 : i32
        %dma_start3A_493 = tpu.memref_slice %arg7[%mul3A_492] : memref<20480xi32, #tpu.memory_space<vmem>> -> memref<128xi32, #tpu.memory_space<vmem>>
        %dma_start3A_494 = arith.constant 0 : i32
        %dma_start3A_495 = arith.constant 0 : i32
        %dma_start3A_496 = tpu.memref_slice %arg12[%dma_start3A_494, %dma_start3A_495] : memref<10112x64xf32, #tpu.memory_space<vmem_shared>> -> memref<10112x64xf32, #tpu.memory_space<vmem_shared>>
        tpu.enqueue_indirect_dma source(%arg8 : memref<128x64xf32, #tpu.memory_space<vmem>>) target(%dma_start3A_496 : memref<10112x64xf32, #tpu.memory_space<vmem_shared>>) offsets(%dma_start3A_493 : memref<128xi32, #tpu.memory_space<vmem>>) semaphore(%arg17 : memref<!tpu.dma_semaphore, #tpu.memory_space<semaphore_mem>>) {add = true}
        %dma_wait3A_497 = arith.constant 0 : i32
        %dma_wait3A_498 = tpu.memref_slice %arg6[%dma_wait3A_497] : memref<20480xi32, #tpu.memory_space<vmem>> -> memref<128xi32, #tpu.memory_space<vmem>>
        %dma_wait3A_499 = arith.constant 0 : i32
        %dma_wait3A_500 = arith.constant 0 : i32
        %dma_wait3A_501 = tpu.memref_slice %arg2[%scan3A_459, %dma_wait3A_499, %dma_wait3A_500] : memref<2x10112x64xf32, #tpu.memory_space<hbm>> -> memref<1x10112x64xf32, #tpu.memory_space<hbm>>
        %dma_wait3A_502 = tpu.memref_squeeze %dma_wait3A_501 : memref<1x10112x64xf32, #tpu.memory_space<hbm>> -> memref<10112x64xf32, #tpu.memory_space<hbm>>
        %dma_wait3A_503 = arith.constant 0 : i32
        %dma_wait3A_504 = arith.constant 0 : i32
        %dma_wait3A_505 = tpu.memref_slice %dma_wait3A_502[%dma_wait3A_503, %dma_wait3A_504] : memref<10112x64xf32, #tpu.memory_space<hbm>> -> memref<10112x64xf32, #tpu.memory_space<hbm>>
        tpu.wait_indirect_dma semaphore(%arg14 : memref<!tpu.dma_semaphore, #tpu.memory_space<semaphore_mem>>) src(%dma_wait3A_505 : memref<10112x64xf32, #tpu.memory_space<hbm>>) dst(%arg9 : memref<128x64xf32, #tpu.memory_space<vmem>>)
        %add3A_506 = arith.constant 1 : i32
        %add3A_507 = arith.addi %mul3A_479, %add3A_506 : i32
        %mul3A_508 = arith.constant 128 : i32
        %mul3A_509 = arith.muli %add3A_507, %mul3A_508 : i32
        %dma_start3A_510 = tpu.memref_slice %arg7[%mul3A_509] : memref<20480xi32, #tpu.memory_space<vmem>> -> memref<128xi32, #tpu.memory_space<vmem>>
        %dma_start3A_511 = arith.constant 0 : i32
        %dma_start3A_512 = arith.constant 0 : i32
        %dma_start3A_513 = tpu.memref_slice %arg12[%dma_start3A_511, %dma_start3A_512] : memref<10112x64xf32, #tpu.memory_space<vmem_shared>> -> memref<10112x64xf32, #tpu.memory_space<vmem_shared>>
        tpu.enqueue_indirect_dma source(%arg9 : memref<128x64xf32, #tpu.memory_space<vmem>>) target(%dma_start3A_513 : memref<10112x64xf32, #tpu.memory_space<vmem_shared>>) offsets(%dma_start3A_510 : memref<128xi32, #tpu.memory_space<vmem>>) semaphore(%arg18 : memref<!tpu.dma_semaphore, #tpu.memory_space<semaphore_mem>>) {add = true}
        %gt3A = arith.constant 0 : i32
        %gt3A_514 = arith.cmpi sgt, %scan3A_475, %gt3A : i32
        %convert_element_type3A_515 = arith.extui %gt3A_514 : i1 to i32
        %cond3A_516 = arith.constant 0 : i32
        %cond3A_517 = arith.cmpi ne, %convert_element_type3A_515, %cond3A_516 : i32
        scf.if %cond3A_517 {
          %dma_wait3A_608 = arith.constant 0 : i32
          %dma_wait3A_609 = tpu.memref_slice %arg7[%dma_wait3A_608] : memref<20480xi32, #tpu.memory_space<vmem>> -> memref<128xi32, #tpu.memory_space<vmem>>
          %dma_wait3A_610 = arith.constant 0 : i32
          %dma_wait3A_611 = arith.constant 0 : i32
          %dma_wait3A_612 = tpu.memref_slice %arg12[%dma_wait3A_610, %dma_wait3A_611] : memref<10112x64xf32, #tpu.memory_space<vmem_shared>> -> memref<10112x64xf32, #tpu.memory_space<vmem_shared>>
          tpu.wait_indirect_dma semaphore(%arg19 : memref<!tpu.dma_semaphore, #tpu.memory_space<semaphore_mem>>) src(%arg10 : memref<128x64xf32, #tpu.memory_space<vmem>>) dst(%dma_wait3A_612 : memref<10112x64xf32, #tpu.memory_space<vmem_shared>>)
        } else {
        }
        %add3A_518 = arith.constant 2 : i32
        %add3A_519 = arith.addi %mul3A_479, %add3A_518 : i32
        %add3A_520 = arith.constant 0 : i32
        %add3A_521 = arith.addi %add3A_519, %add3A_520 : i32
        %mul3A_522 = arith.constant 128 : i32
        %mul3A_523 = arith.muli %add3A_521, %mul3A_522 : i32
        %dma_start3A_524 = tpu.memref_slice %arg6[%mul3A_523] : memref<20480xi32, #tpu.memory_space<vmem>> -> memref<128xi32, #tpu.memory_space<vmem>>
        %dma_start3A_525 = arith.constant 0 : i32
        %dma_start3A_526 = arith.constant 0 : i32
        %dma_start3A_527 = tpu.memref_slice %arg2[%scan3A_459, %dma_start3A_525, %dma_start3A_526] : memref<2x10112x64xf32, #tpu.memory_space<hbm>> -> memref<1x10112x64xf32, #tpu.memory_space<hbm>>
        %dma_start3A_528 = tpu.memref_squeeze %dma_start3A_527 : memref<1x10112x64xf32, #tpu.memory_space<hbm>> -> memref<10112x64xf32, #tpu.memory_space<hbm>>
        %dma_start3A_529 = arith.constant 0 : i32
        %dma_start3A_530 = arith.constant 0 : i32
        %dma_start3A_531 = tpu.memref_slice %dma_start3A_528[%dma_start3A_529, %dma_start3A_530] : memref<10112x64xf32, #tpu.memory_space<hbm>> -> memref<10112x64xf32, #tpu.memory_space<hbm>>
        tpu.enqueue_indirect_dma source(%dma_start3A_531 : memref<10112x64xf32, #tpu.memory_space<hbm>>) target(%arg10 : memref<128x64xf32, #tpu.memory_space<vmem>>) offsets(%dma_start3A_524 : memref<128xi32, #tpu.memory_space<vmem>>) semaphore(%arg15 : memref<!tpu.dma_semaphore, #tpu.memory_space<semaphore_mem>>)
        %gt3A_532 = arith.constant 0 : i32
        %gt3A_533 = arith.cmpi sgt, %scan3A_475, %gt3A_532 : i32
        %convert_element_type3A_534 = arith.extui %gt3A_533 : i1 to i32
        %cond3A_535 = arith.constant 0 : i32
        %cond3A_536 = arith.cmpi ne, %convert_element_type3A_534, %cond3A_535 : i32
        scf.if %cond3A_536 {
          %dma_wait3A_608 = arith.constant 0 : i32
          %dma_wait3A_609 = tpu.memref_slice %arg7[%dma_wait3A_608] : memref<20480xi32, #tpu.memory_space<vmem>> -> memref<128xi32, #tpu.memory_space<vmem>>
          %dma_wait3A_610 = arith.constant 0 : i32
          %dma_wait3A_611 = arith.constant 0 : i32
          %dma_wait3A_612 = tpu.memref_slice %arg12[%dma_wait3A_610, %dma_wait3A_611] : memref<10112x64xf32, #tpu.memory_space<vmem_shared>> -> memref<10112x64xf32, #tpu.memory_space<vmem_shared>>
          tpu.wait_indirect_dma semaphore(%arg20 : memref<!tpu.dma_semaphore, #tpu.memory_space<semaphore_mem>>) src(%arg11 : memref<128x64xf32, #tpu.memory_space<vmem>>) dst(%dma_wait3A_612 : memref<10112x64xf32, #tpu.memory_space<vmem_shared>>)
        } else {
        }
        %add3A_537 = arith.constant 2 : i32
        %add3A_538 = arith.addi %mul3A_479, %add3A_537 : i32
        %add3A_539 = arith.constant 1 : i32
        %add3A_540 = arith.addi %add3A_538, %add3A_539 : i32
        %mul3A_541 = arith.constant 128 : i32
        %mul3A_542 = arith.muli %add3A_540, %mul3A_541 : i32
        %dma_start3A_543 = tpu.memref_slice %arg6[%mul3A_542] : memref<20480xi32, #tpu.memory_space<vmem>> -> memref<128xi32, #tpu.memory_space<vmem>>
        %dma_start3A_544 = arith.constant 0 : i32
        %dma_start3A_545 = arith.constant 0 : i32
        %dma_start3A_546 = tpu.memref_slice %arg2[%scan3A_459, %dma_start3A_544, %dma_start3A_545] : memref<2x10112x64xf32, #tpu.memory_space<hbm>> -> memref<1x10112x64xf32, #tpu.memory_space<hbm>>
        %dma_start3A_547 = tpu.memref_squeeze %dma_start3A_546 : memref<1x10112x64xf32, #tpu.memory_space<hbm>> -> memref<10112x64xf32, #tpu.memory_space<hbm>>
        %dma_start3A_548 = arith.constant 0 : i32
        %dma_start3A_549 = arith.constant 0 : i32
        %dma_start3A_550 = tpu.memref_slice %dma_start3A_547[%dma_start3A_548, %dma_start3A_549] : memref<10112x64xf32, #tpu.memory_space<hbm>> -> memref<10112x64xf32, #tpu.memory_space<hbm>>
        tpu.enqueue_indirect_dma source(%dma_start3A_550 : memref<10112x64xf32, #tpu.memory_space<hbm>>) target(%arg11 : memref<128x64xf32, #tpu.memory_space<vmem>>) offsets(%dma_start3A_543 : memref<128xi32, #tpu.memory_space<vmem>>) semaphore(%arg16 : memref<!tpu.dma_semaphore, #tpu.memory_space<semaphore_mem>>)
        %dma_wait3A_551 = arith.constant 0 : i32
        %dma_wait3A_552 = tpu.memref_slice %arg6[%dma_wait3A_551] : memref<20480xi32, #tpu.memory_space<vmem>> -> memref<128xi32, #tpu.memory_space<vmem>>
        %dma_wait3A_553 = arith.constant 0 : i32
        %dma_wait3A_554 = arith.constant 0 : i32
        %dma_wait3A_555 = tpu.memref_slice %arg2[%scan3A_459, %dma_wait3A_553, %dma_wait3A_554] : memref<2x10112x64xf32, #tpu.memory_space<hbm>> -> memref<1x10112x64xf32, #tpu.memory_space<hbm>>
        %dma_wait3A_556 = tpu.memref_squeeze %dma_wait3A_555 : memref<1x10112x64xf32, #tpu.memory_space<hbm>> -> memref<10112x64xf32, #tpu.memory_space<hbm>>
        %dma_wait3A_557 = arith.constant 0 : i32
        %dma_wait3A_558 = arith.constant 0 : i32
        %dma_wait3A_559 = tpu.memref_slice %dma_wait3A_556[%dma_wait3A_557, %dma_wait3A_558] : memref<10112x64xf32, #tpu.memory_space<hbm>> -> memref<10112x64xf32, #tpu.memory_space<hbm>>
        tpu.wait_indirect_dma semaphore(%arg15 : memref<!tpu.dma_semaphore, #tpu.memory_space<semaphore_mem>>) src(%dma_wait3A_559 : memref<10112x64xf32, #tpu.memory_space<hbm>>) dst(%arg10 : memref<128x64xf32, #tpu.memory_space<vmem>>)
        %add3A_560 = arith.constant 2 : i32
        %add3A_561 = arith.addi %mul3A_479, %add3A_560 : i32
        %add3A_562 = arith.constant 0 : i32
        %add3A_563 = arith.addi %add3A_561, %add3A_562 : i32
        %mul3A_564 = arith.constant 128 : i32
        %mul3A_565 = arith.muli %add3A_563, %mul3A_564 : i32
        %dma_start3A_566 = tpu.memref_slice %arg7[%mul3A_565] : memref<20480xi32, #tpu.memory_space<vmem>> -> memref<128xi32, #tpu.memory_space<vmem>>
        %dma_start3A_567 = arith.constant 0 : i32
        %dma_start3A_568 = arith.constant 0 : i32
        %dma_start3A_569 = tpu.memref_slice %arg12[%dma_start3A_567, %dma_start3A_568] : memref<10112x64xf32, #tpu.memory_space<vmem_shared>> -> memref<10112x64xf32, #tpu.memory_space<vmem_shared>>
        tpu.enqueue_indirect_dma source(%arg10 : memref<128x64xf32, #tpu.memory_space<vmem>>) target(%dma_start3A_569 : memref<10112x64xf32, #tpu.memory_space<vmem_shared>>) offsets(%dma_start3A_566 : memref<128xi32, #tpu.memory_space<vmem>>) semaphore(%arg19 : memref<!tpu.dma_semaphore, #tpu.memory_space<semaphore_mem>>) {add = true}
        %dma_wait3A_570 = arith.constant 0 : i32
        %dma_wait3A_571 = tpu.memref_slice %arg6[%dma_wait3A_570] : memref<20480xi32, #tpu.memory_space<vmem>> -> memref<128xi32, #tpu.memory_space<vmem>>
        %dma_wait3A_572 = arith.constant 0 : i32
        %dma_wait3A_573 = arith.constant 0 : i32
        %dma_wait3A_574 = tpu.memref_slice %arg2[%scan3A_459, %dma_wait3A_572, %dma_wait3A_573] : memref<2x10112x64xf32, #tpu.memory_space<hbm>> -> memref<1x10112x64xf32, #tpu.memory_space<hbm>>
        %dma_wait3A_575 = tpu.memref_squeeze %dma_wait3A_574 : memref<1x10112x64xf32, #tpu.memory_space<hbm>> -> memref<10112x64xf32, #tpu.memory_space<hbm>>
        %dma_wait3A_576 = arith.constant 0 : i32
        %dma_wait3A_577 = arith.constant 0 : i32
        %dma_wait3A_578 = tpu.memref_slice %dma_wait3A_575[%dma_wait3A_576, %dma_wait3A_577] : memref<10112x64xf32, #tpu.memory_space<hbm>> -> memref<10112x64xf32, #tpu.memory_space<hbm>>
        tpu.wait_indirect_dma semaphore(%arg16 : memref<!tpu.dma_semaphore, #tpu.memory_space<semaphore_mem>>) src(%dma_wait3A_578 : memref<10112x64xf32, #tpu.memory_space<hbm>>) dst(%arg11 : memref<128x64xf32, #tpu.memory_space<vmem>>)
        %add3A_579 = arith.constant 2 : i32
        %add3A_580 = arith.addi %mul3A_479, %add3A_579 : i32
        %add3A_581 = arith.constant 1 : i32
        %add3A_582 = arith.addi %add3A_580, %add3A_581 : i32
        %mul3A_583 = arith.constant 128 : i32
        %mul3A_584 = arith.muli %add3A_582, %mul3A_583 : i32
        %dma_start3A_585 = tpu.memref_slice %arg7[%mul3A_584] : memref<20480xi32, #tpu.memory_space<vmem>> -> memref<128xi32, #tpu.memory_space<vmem>>
        %dma_start3A_586 = arith.constant 0 : i32
        %dma_start3A_587 = arith.constant 0 : i32
        %dma_start3A_588 = tpu.memref_slice %arg12[%dma_start3A_586, %dma_start3A_587] : memref<10112x64xf32, #tpu.memory_space<vmem_shared>> -> memref<10112x64xf32, #tpu.memory_space<vmem_shared>>
        tpu.enqueue_indirect_dma source(%arg11 : memref<128x64xf32, #tpu.memory_space<vmem>>) target(%dma_start3A_588 : memref<10112x64xf32, #tpu.memory_space<vmem_shared>>) offsets(%dma_start3A_585 : memref<128xi32, #tpu.memory_space<vmem>>) semaphore(%arg20 : memref<!tpu.dma_semaphore, #tpu.memory_space<semaphore_mem>>) {add = true}
        %dma_wait3A_589 = arith.constant 0 : i32
        %dma_wait3A_590 = tpu.memref_slice %arg7[%dma_wait3A_589] : memref<20480xi32, #tpu.memory_space<vmem>> -> memref<128xi32, #tpu.memory_space<vmem>>
        %dma_wait3A_591 = arith.constant 0 : i32
        %dma_wait3A_592 = arith.constant 0 : i32
        %dma_wait3A_593 = tpu.memref_slice %arg12[%dma_wait3A_591, %dma_wait3A_592] : memref<10112x64xf32, #tpu.memory_space<vmem_shared>> -> memref<10112x64xf32, #tpu.memory_space<vmem_shared>>
        tpu.wait_indirect_dma semaphore(%arg17 : memref<!tpu.dma_semaphore, #tpu.memory_space<semaphore_mem>>) src(%arg8 : memref<128x64xf32, #tpu.memory_space<vmem>>) dst(%dma_wait3A_593 : memref<10112x64xf32, #tpu.memory_space<vmem_shared>>)
        %lt3A = arith.constant 39 : i32
        %lt3A_594 = arith.cmpi slt, %scan3A_475, %lt3A : i32
        %convert_element_type3A_595 = arith.extui %lt3A_594 : i1 to i32
        %cond3A_596 = arith.constant 0 : i32
        %cond3A_597 = arith.cmpi ne, %convert_element_type3A_595, %cond3A_596 : i32
        scf.if %cond3A_597 {
          %add3A_608 = arith.constant 4 : i32
          %add3A_609 = arith.addi %mul3A_479, %add3A_608 : i32
          %add3A_610 = arith.constant 0 : i32
          %add3A_611 = arith.addi %add3A_609, %add3A_610 : i32
          %mul3A_612 = arith.constant 128 : i32
          %mul3A_613 = arith.muli %add3A_611, %mul3A_612 : i32
          %dma_start3A_614 = tpu.memref_slice %arg6[%mul3A_613] : memref<20480xi32, #tpu.memory_space<vmem>> -> memref<128xi32, #tpu.memory_space<vmem>>
          %dma_start3A_615 = arith.constant 0 : i32
          %dma_start3A_616 = arith.constant 0 : i32
          %dma_start3A_617 = tpu.memref_slice %arg2[%scan3A_459, %dma_start3A_615, %dma_start3A_616] : memref<2x10112x64xf32, #tpu.memory_space<hbm>> -> memref<1x10112x64xf32, #tpu.memory_space<hbm>>
          %dma_start3A_618 = tpu.memref_squeeze %dma_start3A_617 : memref<1x10112x64xf32, #tpu.memory_space<hbm>> -> memref<10112x64xf32, #tpu.memory_space<hbm>>
          %dma_start3A_619 = arith.constant 0 : i32
          %dma_start3A_620 = arith.constant 0 : i32
          %dma_start3A_621 = tpu.memref_slice %dma_start3A_618[%dma_start3A_619, %dma_start3A_620] : memref<10112x64xf32, #tpu.memory_space<hbm>> -> memref<10112x64xf32, #tpu.memory_space<hbm>>
          tpu.enqueue_indirect_dma source(%dma_start3A_621 : memref<10112x64xf32, #tpu.memory_space<hbm>>) target(%arg8 : memref<128x64xf32, #tpu.memory_space<vmem>>) offsets(%dma_start3A_614 : memref<128xi32, #tpu.memory_space<vmem>>) semaphore(%arg13 : memref<!tpu.dma_semaphore, #tpu.memory_space<semaphore_mem>>)
        } else {
        }
        %dma_wait3A_598 = arith.constant 0 : i32
        %dma_wait3A_599 = tpu.memref_slice %arg7[%dma_wait3A_598] : memref<20480xi32, #tpu.memory_space<vmem>> -> memref<128xi32, #tpu.memory_space<vmem>>
        %dma_wait3A_600 = arith.constant 0 : i32
        %dma_wait3A_601 = arith.constant 0 : i32
        %dma_wait3A_602 = tpu.memref_slice %arg12[%dma_wait3A_600, %dma_wait3A_601] : memref<10112x64xf32, #tpu.memory_space<vmem_shared>> -> memref<10112x64xf32, #tpu.memory_space<vmem_shared>>
        tpu.wait_indirect_dma semaphore(%arg18 : memref<!tpu.dma_semaphore, #tpu.memory_space<semaphore_mem>>) src(%arg9 : memref<128x64xf32, #tpu.memory_space<vmem>>) dst(%dma_wait3A_602 : memref<10112x64xf32, #tpu.memory_space<vmem_shared>>)
        %lt3A_603 = arith.constant 39 : i32
        %lt3A_604 = arith.cmpi slt, %scan3A_475, %lt3A_603 : i32
        %convert_element_type3A_605 = arith.extui %lt3A_604 : i1 to i32
        %cond3A_606 = arith.constant 0 : i32
        %cond3A_607 = arith.cmpi ne, %convert_element_type3A_605, %cond3A_606 : i32
        scf.if %cond3A_607 {
          %add3A_608 = arith.constant 4 : i32
          %add3A_609 = arith.addi %mul3A_479, %add3A_608 : i32
          %add3A_610 = arith.constant 1 : i32
          %add3A_611 = arith.addi %add3A_609, %add3A_610 : i32
          %mul3A_612 = arith.constant 128 : i32
          %mul3A_613 = arith.muli %add3A_611, %mul3A_612 : i32
          %dma_start3A_614 = tpu.memref_slice %arg6[%mul3A_613] : memref<20480xi32, #tpu.memory_space<vmem>> -> memref<128xi32, #tpu.memory_space<vmem>>
          %dma_start3A_615 = arith.constant 0 : i32
          %dma_start3A_616 = arith.constant 0 : i32
          %dma_start3A_617 = tpu.memref_slice %arg2[%scan3A_459, %dma_start3A_615, %dma_start3A_616] : memref<2x10112x64xf32, #tpu.memory_space<hbm>> -> memref<1x10112x64xf32, #tpu.memory_space<hbm>>
          %dma_start3A_618 = tpu.memref_squeeze %dma_start3A_617 : memref<1x10112x64xf32, #tpu.memory_space<hbm>> -> memref<10112x64xf32, #tpu.memory_space<hbm>>
          %dma_start3A_619 = arith.constant 0 : i32
          %dma_start3A_620 = arith.constant 0 : i32
          %dma_start3A_621 = tpu.memref_slice %dma_start3A_618[%dma_start3A_619, %dma_start3A_620] : memref<10112x64xf32, #tpu.memory_space<hbm>> -> memref<10112x64xf32, #tpu.memory_space<hbm>>
          tpu.enqueue_indirect_dma source(%dma_start3A_621 : memref<10112x64xf32, #tpu.memory_space<hbm>>) target(%arg9 : memref<128x64xf32, #tpu.memory_space<vmem>>) offsets(%dma_start3A_614 : memref<128xi32, #tpu.memory_space<vmem>>) semaphore(%arg14 : memref<!tpu.dma_semaphore, #tpu.memory_space<semaphore_mem>>)
        } else {
        }
      }
      %scan3A_464 = arith.constant 40 : i32
      %dma_wait3A_465 = arith.constant 0 : i32
      %dma_wait3A_466 = tpu.memref_slice %arg7[%dma_wait3A_465] : memref<20480xi32, #tpu.memory_space<vmem>> -> memref<128xi32, #tpu.memory_space<vmem>>
      %dma_wait3A_467 = arith.constant 0 : i32
      %dma_wait3A_468 = arith.constant 0 : i32
      %dma_wait3A_469 = tpu.memref_slice %arg12[%dma_wait3A_467, %dma_wait3A_468] : memref<10112x64xf32, #tpu.memory_space<vmem_shared>> -> memref<10112x64xf32, #tpu.memory_space<vmem_shared>>
      tpu.wait_indirect_dma semaphore(%arg19 : memref<!tpu.dma_semaphore, #tpu.memory_space<semaphore_mem>>) src(%arg10 : memref<128x64xf32, #tpu.memory_space<vmem>>) dst(%dma_wait3A_469 : memref<10112x64xf32, #tpu.memory_space<vmem_shared>>)
      %dma_wait3A_470 = arith.constant 0 : i32
      %dma_wait3A_471 = tpu.memref_slice %arg7[%dma_wait3A_470] : memref<20480xi32, #tpu.memory_space<vmem>> -> memref<128xi32, #tpu.memory_space<vmem>>
      %dma_wait3A_472 = arith.constant 0 : i32
      %dma_wait3A_473 = arith.constant 0 : i32
      %dma_wait3A_474 = tpu.memref_slice %arg12[%dma_wait3A_472, %dma_wait3A_473] : memref<10112x64xf32, #tpu.memory_space<vmem_shared>> -> memref<10112x64xf32, #tpu.memory_space<vmem_shared>>
      tpu.wait_indirect_dma semaphore(%arg20 : memref<!tpu.dma_semaphore, #tpu.memory_space<semaphore_mem>>) src(%arg11 : memref<128x64xf32, #tpu.memory_space<vmem>>) dst(%dma_wait3A_474 : memref<10112x64xf32, #tpu.memory_space<vmem_shared>>)
    } else {
    }
    %eq3A_432 = arith.constant 1 : i32
    %eq3A_433 = arith.cmpi eq, %arg0, %eq3A_432 : i32
    %convert_element_type3A_434 = arith.extui %eq3A_433 : i1 to i32
    %cond3A_435 = arith.constant 0 : i32
    %cond3A_436 = arith.cmpi ne, %convert_element_type3A_434, %cond3A_435 : i32
    scf.if %cond3A_436 {
      %dma_start3A_438 = arith.constant 1 : i32
      %dma_start3A_439 = arith.constant 0 : i32
      %dma_start3A_440 = tpu.memref_slice %arg6[%dma_start3A_439] : memref<20480xi32, #tpu.memory_space<vmem>> -> memref<128xi32, #tpu.memory_space<vmem>>
      %dma_start3A_441 = arith.constant 0 : i32
      %dma_start3A_442 = arith.constant 0 : i32
      %dma_start3A_443 = tpu.memref_slice %arg2[%dma_start3A_438, %dma_start3A_441, %dma_start3A_442] : memref<2x10112x64xf32, #tpu.memory_space<hbm>> -> memref<1x10112x64xf32, #tpu.memory_space<hbm>>
      %dma_start3A_444 = tpu.memref_squeeze %dma_start3A_443 : memref<1x10112x64xf32, #tpu.memory_space<hbm>> -> memref<10112x64xf32, #tpu.memory_space<hbm>>
      %dma_start3A_445 = arith.constant 0 : i32
      %dma_start3A_446 = arith.constant 0 : i32
      %dma_start3A_447 = tpu.memref_slice %dma_start3A_444[%dma_start3A_445, %dma_start3A_446] : memref<10112x64xf32, #tpu.memory_space<hbm>> -> memref<10112x64xf32, #tpu.memory_space<hbm>>
      tpu.enqueue_indirect_dma source(%dma_start3A_447 : memref<10112x64xf32, #tpu.memory_space<hbm>>) target(%arg8 : memref<128x64xf32, #tpu.memory_space<vmem>>) offsets(%dma_start3A_440 : memref<128xi32, #tpu.memory_space<vmem>>) semaphore(%arg13 : memref<!tpu.dma_semaphore, #tpu.memory_space<semaphore_mem>>)
      %dma_start3A_448 = arith.constant 1 : i32
      %dma_start3A_449 = arith.constant 128 : i32
      %dma_start3A_450 = tpu.memref_slice %arg6[%dma_start3A_449] : memref<20480xi32, #tpu.memory_space<vmem>> -> memref<128xi32, #tpu.memory_space<vmem>>
      %dma_start3A_451 = arith.constant 0 : i32
      %dma_start3A_452 = arith.constant 0 : i32
      %dma_start3A_453 = tpu.memref_slice %arg2[%dma_start3A_448, %dma_start3A_451, %dma_start3A_452] : memref<2x10112x64xf32, #tpu.memory_space<hbm>> -> memref<1x10112x64xf32, #tpu.memory_space<hbm>>
      %dma_start3A_454 = tpu.memref_squeeze %dma_start3A_453 : memref<1x10112x64xf32, #tpu.memory_space<hbm>> -> memref<10112x64xf32, #tpu.memory_space<hbm>>
      %dma_start3A_455 = arith.constant 0 : i32
      %dma_start3A_456 = arith.constant 0 : i32
      %dma_start3A_457 = tpu.memref_slice %dma_start3A_454[%dma_start3A_455, %dma_start3A_456] : memref<10112x64xf32, #tpu.memory_space<hbm>> -> memref<10112x64xf32, #tpu.memory_space<hbm>>
      tpu.enqueue_indirect_dma source(%dma_start3A_457 : memref<10112x64xf32, #tpu.memory_space<hbm>>) target(%arg9 : memref<128x64xf32, #tpu.memory_space<vmem>>) offsets(%dma_start3A_450 : memref<128xi32, #tpu.memory_space<vmem>>) semaphore(%arg14 : memref<!tpu.dma_semaphore, #tpu.memory_space<semaphore_mem>>)
      %scan3A_458 = arith.constant 0 : i32
      %scan3A_459 = arith.constant 1 : i32
      %scan3A_460 = arith.constant 0 : i32
      %scan3A_461 = arith.constant 40 : i32
      %scan3A_462 = arith.addi %scan3A_460, %scan3A_461 : i32
      %scan3A_463 = arith.constant 1 : i32
      scf.for %scan3A_475 = %scan3A_460 to %scan3A_462 step %scan3A_463  : i32 {
        %mul3A_476 = arith.constant 2 : i32
        %mul3A_477 = arith.muli %mul3A_476, %scan3A_475 : i32
        %mul3A_478 = arith.constant 2 : i32
        %mul3A_479 = arith.muli %mul3A_477, %mul3A_478 : i32
        %dma_wait3A_480 = arith.constant 0 : i32
        %dma_wait3A_481 = tpu.memref_slice %arg6[%dma_wait3A_480] : memref<20480xi32, #tpu.memory_space<vmem>> -> memref<128xi32, #tpu.memory_space<vmem>>
        %dma_wait3A_482 = arith.constant 0 : i32
        %dma_wait3A_483 = arith.constant 0 : i32
        %dma_wait3A_484 = tpu.memref_slice %arg2[%scan3A_459, %dma_wait3A_482, %dma_wait3A_483] : memref<2x10112x64xf32, #tpu.memory_space<hbm>> -> memref<1x10112x64xf32, #tpu.memory_space<hbm>>
        %dma_wait3A_485 = tpu.memref_squeeze %dma_wait3A_484 : memref<1x10112x64xf32, #tpu.memory_space<hbm>> -> memref<10112x64xf32, #tpu.memory_space<hbm>>
        %dma_wait3A_486 = arith.constant 0 : i32
        %dma_wait3A_487 = arith.constant 0 : i32
        %dma_wait3A_488 = tpu.memref_slice %dma_wait3A_485[%dma_wait3A_486, %dma_wait3A_487] : memref<10112x64xf32, #tpu.memory_space<hbm>> -> memref<10112x64xf32, #tpu.memory_space<hbm>>
        tpu.wait_indirect_dma semaphore(%arg13 : memref<!tpu.dma_semaphore, #tpu.memory_space<semaphore_mem>>) src(%dma_wait3A_488 : memref<10112x64xf32, #tpu.memory_space<hbm>>) dst(%arg8 : memref<128x64xf32, #tpu.memory_space<vmem>>)
        %add3A_489 = arith.constant 0 : i32
        %add3A_490 = arith.addi %mul3A_479, %add3A_489 : i32
        %mul3A_491 = arith.constant 128 : i32
        %mul3A_492 = arith.muli %add3A_490, %mul3A_491 : i32
        %dma_start3A_493 = tpu.memref_slice %arg7[%mul3A_492] : memref<20480xi32, #tpu.memory_space<vmem>> -> memref<128xi32, #tpu.memory_space<vmem>>
        %dma_start3A_494 = arith.constant 0 : i32
        %dma_start3A_495 = arith.constant 0 : i32
        %dma_start3A_496 = tpu.memref_slice %arg12[%dma_start3A_494, %dma_start3A_495] : memref<10112x64xf32, #tpu.memory_space<vmem_shared>> -> memref<10112x64xf32, #tpu.memory_space<vmem_shared>>
        tpu.enqueue_indirect_dma source(%arg8 : memref<128x64xf32, #tpu.memory_space<vmem>>) target(%dma_start3A_496 : memref<10112x64xf32, #tpu.memory_space<vmem_shared>>) offsets(%dma_start3A_493 : memref<128xi32, #tpu.memory_space<vmem>>) semaphore(%arg17 : memref<!tpu.dma_semaphore, #tpu.memory_space<semaphore_mem>>) {add = true}
        %dma_wait3A_497 = arith.constant 0 : i32
        %dma_wait3A_498 = tpu.memref_slice %arg6[%dma_wait3A_497] : memref<20480xi32, #tpu.memory_space<vmem>> -> memref<128xi32, #tpu.memory_space<vmem>>
        %dma_wait3A_499 = arith.constant 0 : i32
        %dma_wait3A_500 = arith.constant 0 : i32
        %dma_wait3A_501 = tpu.memref_slice %arg2[%scan3A_459, %dma_wait3A_499, %dma_wait3A_500] : memref<2x10112x64xf32, #tpu.memory_space<hbm>> -> memref<1x10112x64xf32, #tpu.memory_space<hbm>>
        %dma_wait3A_502 = tpu.memref_squeeze %dma_wait3A_501 : memref<1x10112x64xf32, #tpu.memory_space<hbm>> -> memref<10112x64xf32, #tpu.memory_space<hbm>>
        %dma_wait3A_503 = arith.constant 0 : i32
        %dma_wait3A_504 = arith.constant 0 : i32
        %dma_wait3A_505 = tpu.memref_slice %dma_wait3A_502[%dma_wait3A_503, %dma_wait3A_504] : memref<10112x64xf32, #tpu.memory_space<hbm>> -> memref<10112x64xf32, #tpu.memory_space<hbm>>
        tpu.wait_indirect_dma semaphore(%arg14 : memref<!tpu.dma_semaphore, #tpu.memory_space<semaphore_mem>>) src(%dma_wait3A_505 : memref<10112x64xf32, #tpu.memory_space<hbm>>) dst(%arg9 : memref<128x64xf32, #tpu.memory_space<vmem>>)
        %add3A_506 = arith.constant 1 : i32
        %add3A_507 = arith.addi %mul3A_479, %add3A_506 : i32
        %mul3A_508 = arith.constant 128 : i32
        %mul3A_509 = arith.muli %add3A_507, %mul3A_508 : i32
        %dma_start3A_510 = tpu.memref_slice %arg7[%mul3A_509] : memref<20480xi32, #tpu.memory_space<vmem>> -> memref<128xi32, #tpu.memory_space<vmem>>
        %dma_start3A_511 = arith.constant 0 : i32
        %dma_start3A_512 = arith.constant 0 : i32
        %dma_start3A_513 = tpu.memref_slice %arg12[%dma_start3A_511, %dma_start3A_512] : memref<10112x64xf32, #tpu.memory_space<vmem_shared>> -> memref<10112x64xf32, #tpu.memory_space<vmem_shared>>
        tpu.enqueue_indirect_dma source(%arg9 : memref<128x64xf32, #tpu.memory_space<vmem>>) target(%dma_start3A_513 : memref<10112x64xf32, #tpu.memory_space<vmem_shared>>) offsets(%dma_start3A_510 : memref<128xi32, #tpu.memory_space<vmem>>) semaphore(%arg18 : memref<!tpu.dma_semaphore, #tpu.memory_space<semaphore_mem>>) {add = true}
        %gt3A = arith.constant 0 : i32
        %gt3A_514 = arith.cmpi sgt, %scan3A_475, %gt3A : i32
        %convert_element_type3A_515 = arith.extui %gt3A_514 : i1 to i32
        %cond3A_516 = arith.constant 0 : i32
        %cond3A_517 = arith.cmpi ne, %convert_element_type3A_515, %cond3A_516 : i32
        scf.if %cond3A_517 {
          %dma_wait3A_608 = arith.constant 0 : i32
          %dma_wait3A_609 = tpu.memref_slice %arg7[%dma_wait3A_608] : memref<20480xi32, #tpu.memory_space<vmem>> -> memref<128xi32, #tpu.memory_space<vmem>>
          %dma_wait3A_610 = arith.constant 0 : i32
          %dma_wait3A_611 = arith.constant 0 : i32
          %dma_wait3A_612 = tpu.memref_slice %arg12[%dma_wait3A_610, %dma_wait3A_611] : memref<10112x64xf32, #tpu.memory_space<vmem_shared>> -> memref<10112x64xf32, #tpu.memory_space<vmem_shared>>
          tpu.wait_indirect_dma semaphore(%arg19 : memref<!tpu.dma_semaphore, #tpu.memory_space<semaphore_mem>>) src(%arg10 : memref<128x64xf32, #tpu.memory_space<vmem>>) dst(%dma_wait3A_612 : memref<10112x64xf32, #tpu.memory_space<vmem_shared>>)
        } else {
        }
        %add3A_518 = arith.constant 2 : i32
        %add3A_519 = arith.addi %mul3A_479, %add3A_518 : i32
        %add3A_520 = arith.constant 0 : i32
        %add3A_521 = arith.addi %add3A_519, %add3A_520 : i32
        %mul3A_522 = arith.constant 128 : i32
        %mul3A_523 = arith.muli %add3A_521, %mul3A_522 : i32
        %dma_start3A_524 = tpu.memref_slice %arg6[%mul3A_523] : memref<20480xi32, #tpu.memory_space<vmem>> -> memref<128xi32, #tpu.memory_space<vmem>>
        %dma_start3A_525 = arith.constant 0 : i32
        %dma_start3A_526 = arith.constant 0 : i32
        %dma_start3A_527 = tpu.memref_slice %arg2[%scan3A_459, %dma_start3A_525, %dma_start3A_526] : memref<2x10112x64xf32, #tpu.memory_space<hbm>> -> memref<1x10112x64xf32, #tpu.memory_space<hbm>>
        %dma_start3A_528 = tpu.memref_squeeze %dma_start3A_527 : memref<1x10112x64xf32, #tpu.memory_space<hbm>> -> memref<10112x64xf32, #tpu.memory_space<hbm>>
        %dma_start3A_529 = arith.constant 0 : i32
        %dma_start3A_530 = arith.constant 0 : i32
        %dma_start3A_531 = tpu.memref_slice %dma_start3A_528[%dma_start3A_529, %dma_start3A_530] : memref<10112x64xf32, #tpu.memory_space<hbm>> -> memref<10112x64xf32, #tpu.memory_space<hbm>>
        tpu.enqueue_indirect_dma source(%dma_start3A_531 : memref<10112x64xf32, #tpu.memory_space<hbm>>) target(%arg10 : memref<128x64xf32, #tpu.memory_space<vmem>>) offsets(%dma_start3A_524 : memref<128xi32, #tpu.memory_space<vmem>>) semaphore(%arg15 : memref<!tpu.dma_semaphore, #tpu.memory_space<semaphore_mem>>)
        %gt3A_532 = arith.constant 0 : i32
        %gt3A_533 = arith.cmpi sgt, %scan3A_475, %gt3A_532 : i32
        %convert_element_type3A_534 = arith.extui %gt3A_533 : i1 to i32
        %cond3A_535 = arith.constant 0 : i32
        %cond3A_536 = arith.cmpi ne, %convert_element_type3A_534, %cond3A_535 : i32
        scf.if %cond3A_536 {
          %dma_wait3A_608 = arith.constant 0 : i32
          %dma_wait3A_609 = tpu.memref_slice %arg7[%dma_wait3A_608] : memref<20480xi32, #tpu.memory_space<vmem>> -> memref<128xi32, #tpu.memory_space<vmem>>
          %dma_wait3A_610 = arith.constant 0 : i32
          %dma_wait3A_611 = arith.constant 0 : i32
          %dma_wait3A_612 = tpu.memref_slice %arg12[%dma_wait3A_610, %dma_wait3A_611] : memref<10112x64xf32, #tpu.memory_space<vmem_shared>> -> memref<10112x64xf32, #tpu.memory_space<vmem_shared>>
          tpu.wait_indirect_dma semaphore(%arg20 : memref<!tpu.dma_semaphore, #tpu.memory_space<semaphore_mem>>) src(%arg11 : memref<128x64xf32, #tpu.memory_space<vmem>>) dst(%dma_wait3A_612 : memref<10112x64xf32, #tpu.memory_space<vmem_shared>>)
        } else {
        }
        %add3A_537 = arith.constant 2 : i32
        %add3A_538 = arith.addi %mul3A_479, %add3A_537 : i32
        %add3A_539 = arith.constant 1 : i32
        %add3A_540 = arith.addi %add3A_538, %add3A_539 : i32
        %mul3A_541 = arith.constant 128 : i32
        %mul3A_542 = arith.muli %add3A_540, %mul3A_541 : i32
        %dma_start3A_543 = tpu.memref_slice %arg6[%mul3A_542] : memref<20480xi32, #tpu.memory_space<vmem>> -> memref<128xi32, #tpu.memory_space<vmem>>
        %dma_start3A_544 = arith.constant 0 : i32
        %dma_start3A_545 = arith.constant 0 : i32
        %dma_start3A_546 = tpu.memref_slice %arg2[%scan3A_459, %dma_start3A_544, %dma_start3A_545] : memref<2x10112x64xf32, #tpu.memory_space<hbm>> -> memref<1x10112x64xf32, #tpu.memory_space<hbm>>
        %dma_start3A_547 = tpu.memref_squeeze %dma_start3A_546 : memref<1x10112x64xf32, #tpu.memory_space<hbm>> -> memref<10112x64xf32, #tpu.memory_space<hbm>>
        %dma_start3A_548 = arith.constant 0 : i32
        %dma_start3A_549 = arith.constant 0 : i32
        %dma_start3A_550 = tpu.memref_slice %dma_start3A_547[%dma_start3A_548, %dma_start3A_549] : memref<10112x64xf32, #tpu.memory_space<hbm>> -> memref<10112x64xf32, #tpu.memory_space<hbm>>
        tpu.enqueue_indirect_dma source(%dma_start3A_550 : memref<10112x64xf32, #tpu.memory_space<hbm>>) target(%arg11 : memref<128x64xf32, #tpu.memory_space<vmem>>) offsets(%dma_start3A_543 : memref<128xi32, #tpu.memory_space<vmem>>) semaphore(%arg16 : memref<!tpu.dma_semaphore, #tpu.memory_space<semaphore_mem>>)
        %dma_wait3A_551 = arith.constant 0 : i32
        %dma_wait3A_552 = tpu.memref_slice %arg6[%dma_wait3A_551] : memref<20480xi32, #tpu.memory_space<vmem>> -> memref<128xi32, #tpu.memory_space<vmem>>
        %dma_wait3A_553 = arith.constant 0 : i32
        %dma_wait3A_554 = arith.constant 0 : i32
        %dma_wait3A_555 = tpu.memref_slice %arg2[%scan3A_459, %dma_wait3A_553, %dma_wait3A_554] : memref<2x10112x64xf32, #tpu.memory_space<hbm>> -> memref<1x10112x64xf32, #tpu.memory_space<hbm>>
        %dma_wait3A_556 = tpu.memref_squeeze %dma_wait3A_555 : memref<1x10112x64xf32, #tpu.memory_space<hbm>> -> memref<10112x64xf32, #tpu.memory_space<hbm>>
        %dma_wait3A_557 = arith.constant 0 : i32
        %dma_wait3A_558 = arith.constant 0 : i32
        %dma_wait3A_559 = tpu.memref_slice %dma_wait3A_556[%dma_wait3A_557, %dma_wait3A_558] : memref<10112x64xf32, #tpu.memory_space<hbm>> -> memref<10112x64xf32, #tpu.memory_space<hbm>>
        tpu.wait_indirect_dma semaphore(%arg15 : memref<!tpu.dma_semaphore, #tpu.memory_space<semaphore_mem>>) src(%dma_wait3A_559 : memref<10112x64xf32, #tpu.memory_space<hbm>>) dst(%arg10 : memref<128x64xf32, #tpu.memory_space<vmem>>)
        %add3A_560 = arith.constant 2 : i32
        %add3A_561 = arith.addi %mul3A_479, %add3A_560 : i32
        %add3A_562 = arith.constant 0 : i32
        %add3A_563 = arith.addi %add3A_561, %add3A_562 : i32
        %mul3A_564 = arith.constant 128 : i32
        %mul3A_565 = arith.muli %add3A_563, %mul3A_564 : i32
        %dma_start3A_566 = tpu.memref_slice %arg7[%mul3A_565] : memref<20480xi32, #tpu.memory_space<vmem>> -> memref<128xi32, #tpu.memory_space<vmem>>
        %dma_start3A_567 = arith.constant 0 : i32
        %dma_start3A_568 = arith.constant 0 : i32
        %dma_start3A_569 = tpu.memref_slice %arg12[%dma_start3A_567, %dma_start3A_568] : memref<10112x64xf32, #tpu.memory_space<vmem_shared>> -> memref<10112x64xf32, #tpu.memory_space<vmem_shared>>
        tpu.enqueue_indirect_dma source(%arg10 : memref<128x64xf32, #tpu.memory_space<vmem>>) target(%dma_start3A_569 : memref<10112x64xf32, #tpu.memory_space<vmem_shared>>) offsets(%dma_start3A_566 : memref<128xi32, #tpu.memory_space<vmem>>) semaphore(%arg19 : memref<!tpu.dma_semaphore, #tpu.memory_space<semaphore_mem>>) {add = true}
        %dma_wait3A_570 = arith.constant 0 : i32
        %dma_wait3A_571 = tpu.memref_slice %arg6[%dma_wait3A_570] : memref<20480xi32, #tpu.memory_space<vmem>> -> memref<128xi32, #tpu.memory_space<vmem>>
        %dma_wait3A_572 = arith.constant 0 : i32
        %dma_wait3A_573 = arith.constant 0 : i32
        %dma_wait3A_574 = tpu.memref_slice %arg2[%scan3A_459, %dma_wait3A_572, %dma_wait3A_573] : memref<2x10112x64xf32, #tpu.memory_space<hbm>> -> memref<1x10112x64xf32, #tpu.memory_space<hbm>>
        %dma_wait3A_575 = tpu.memref_squeeze %dma_wait3A_574 : memref<1x10112x64xf32, #tpu.memory_space<hbm>> -> memref<10112x64xf32, #tpu.memory_space<hbm>>
        %dma_wait3A_576 = arith.constant 0 : i32
        %dma_wait3A_577 = arith.constant 0 : i32
        %dma_wait3A_578 = tpu.memref_slice %dma_wait3A_575[%dma_wait3A_576, %dma_wait3A_577] : memref<10112x64xf32, #tpu.memory_space<hbm>> -> memref<10112x64xf32, #tpu.memory_space<hbm>>
        tpu.wait_indirect_dma semaphore(%arg16 : memref<!tpu.dma_semaphore, #tpu.memory_space<semaphore_mem>>) src(%dma_wait3A_578 : memref<10112x64xf32, #tpu.memory_space<hbm>>) dst(%arg11 : memref<128x64xf32, #tpu.memory_space<vmem>>)
        %add3A_579 = arith.constant 2 : i32
        %add3A_580 = arith.addi %mul3A_479, %add3A_579 : i32
        %add3A_581 = arith.constant 1 : i32
        %add3A_582 = arith.addi %add3A_580, %add3A_581 : i32
        %mul3A_583 = arith.constant 128 : i32
        %mul3A_584 = arith.muli %add3A_582, %mul3A_583 : i32
        %dma_start3A_585 = tpu.memref_slice %arg7[%mul3A_584] : memref<20480xi32, #tpu.memory_space<vmem>> -> memref<128xi32, #tpu.memory_space<vmem>>
        %dma_start3A_586 = arith.constant 0 : i32
        %dma_start3A_587 = arith.constant 0 : i32
        %dma_start3A_588 = tpu.memref_slice %arg12[%dma_start3A_586, %dma_start3A_587] : memref<10112x64xf32, #tpu.memory_space<vmem_shared>> -> memref<10112x64xf32, #tpu.memory_space<vmem_shared>>
        tpu.enqueue_indirect_dma source(%arg11 : memref<128x64xf32, #tpu.memory_space<vmem>>) target(%dma_start3A_588 : memref<10112x64xf32, #tpu.memory_space<vmem_shared>>) offsets(%dma_start3A_585 : memref<128xi32, #tpu.memory_space<vmem>>) semaphore(%arg20 : memref<!tpu.dma_semaphore, #tpu.memory_space<semaphore_mem>>) {add = true}
        %dma_wait3A_589 = arith.constant 0 : i32
        %dma_wait3A_590 = tpu.memref_slice %arg7[%dma_wait3A_589] : memref<20480xi32, #tpu.memory_space<vmem>> -> memref<128xi32, #tpu.memory_space<vmem>>
        %dma_wait3A_591 = arith.constant 0 : i32
        %dma_wait3A_592 = arith.constant 0 : i32
        %dma_wait3A_593 = tpu.memref_slice %arg12[%dma_wait3A_591, %dma_wait3A_592] : memref<10112x64xf32, #tpu.memory_space<vmem_shared>> -> memref<10112x64xf32, #tpu.memory_space<vmem_shared>>
        tpu.wait_indirect_dma semaphore(%arg17 : memref<!tpu.dma_semaphore, #tpu.memory_space<semaphore_mem>>) src(%arg8 : memref<128x64xf32, #tpu.memory_space<vmem>>) dst(%dma_wait3A_593 : memref<10112x64xf32, #tpu.memory_space<vmem_shared>>)
        %lt3A = arith.constant 39 : i32
        %lt3A_594 = arith.cmpi slt, %scan3A_475, %lt3A : i32
        %convert_element_type3A_595 = arith.extui %lt3A_594 : i1 to i32
        %cond3A_596 = arith.constant 0 : i32
        %cond3A_597 = arith.cmpi ne, %convert_element_type3A_595, %cond3A_596 : i32
        scf.if %cond3A_597 {
          %add3A_608 = arith.constant 4 : i32
          %add3A_609 = arith.addi %mul3A_479, %add3A_608 : i32
          %add3A_610 = arith.constant 0 : i32
          %add3A_611 = arith.addi %add3A_609, %add3A_610 : i32
          %mul3A_612 = arith.constant 128 : i32
          %mul3A_613 = arith.muli %add3A_611, %mul3A_612 : i32
          %dma_start3A_614 = tpu.memref_slice %arg6[%mul3A_613] : memref<20480xi32, #tpu.memory_space<vmem>> -> memref<128xi32, #tpu.memory_space<vmem>>
          %dma_start3A_615 = arith.constant 0 : i32
          %dma_start3A_616 = arith.constant 0 : i32
          %dma_start3A_617 = tpu.memref_slice %arg2[%scan3A_459, %dma_start3A_615, %dma_start3A_616] : memref<2x10112x64xf32, #tpu.memory_space<hbm>> -> memref<1x10112x64xf32, #tpu.memory_space<hbm>>
          %dma_start3A_618 = tpu.memref_squeeze %dma_start3A_617 : memref<1x10112x64xf32, #tpu.memory_space<hbm>> -> memref<10112x64xf32, #tpu.memory_space<hbm>>
          %dma_start3A_619 = arith.constant 0 : i32
          %dma_start3A_620 = arith.constant 0 : i32
          %dma_start3A_621 = tpu.memref_slice %dma_start3A_618[%dma_start3A_619, %dma_start3A_620] : memref<10112x64xf32, #tpu.memory_space<hbm>> -> memref<10112x64xf32, #tpu.memory_space<hbm>>
          tpu.enqueue_indirect_dma source(%dma_start3A_621 : memref<10112x64xf32, #tpu.memory_space<hbm>>) target(%arg8 : memref<128x64xf32, #tpu.memory_space<vmem>>) offsets(%dma_start3A_614 : memref<128xi32, #tpu.memory_space<vmem>>) semaphore(%arg13 : memref<!tpu.dma_semaphore, #tpu.memory_space<semaphore_mem>>)
        } else {
        }
        %dma_wait3A_598 = arith.constant 0 : i32
        %dma_wait3A_599 = tpu.memref_slice %arg7[%dma_wait3A_598] : memref<20480xi32, #tpu.memory_space<vmem>> -> memref<128xi32, #tpu.memory_space<vmem>>
        %dma_wait3A_600 = arith.constant 0 : i32
        %dma_wait3A_601 = arith.constant 0 : i32
        %dma_wait3A_602 = tpu.memref_slice %arg12[%dma_wait3A_600, %dma_wait3A_601] : memref<10112x64xf32, #tpu.memory_space<vmem_shared>> -> memref<10112x64xf32, #tpu.memory_space<vmem_shared>>
        tpu.wait_indirect_dma semaphore(%arg18 : memref<!tpu.dma_semaphore, #tpu.memory_space<semaphore_mem>>) src(%arg9 : memref<128x64xf32, #tpu.memory_space<vmem>>) dst(%dma_wait3A_602 : memref<10112x64xf32, #tpu.memory_space<vmem_shared>>)
        %lt3A_603 = arith.constant 39 : i32
        %lt3A_604 = arith.cmpi slt, %scan3A_475, %lt3A_603 : i32
        %convert_element_type3A_605 = arith.extui %lt3A_604 : i1 to i32
        %cond3A_606 = arith.constant 0 : i32
        %cond3A_607 = arith.cmpi ne, %convert_element_type3A_605, %cond3A_606 : i32
        scf.if %cond3A_607 {
          %add3A_608 = arith.constant 4 : i32
          %add3A_609 = arith.addi %mul3A_479, %add3A_608 : i32
          %add3A_610 = arith.constant 1 : i32
          %add3A_611 = arith.addi %add3A_609, %add3A_610 : i32
          %mul3A_612 = arith.constant 128 : i32
          %mul3A_613 = arith.muli %add3A_611, %mul3A_612 : i32
          %dma_start3A_614 = tpu.memref_slice %arg6[%mul3A_613] : memref<20480xi32, #tpu.memory_space<vmem>> -> memref<128xi32, #tpu.memory_space<vmem>>
          %dma_start3A_615 = arith.constant 0 : i32
          %dma_start3A_616 = arith.constant 0 : i32
          %dma_start3A_617 = tpu.memref_slice %arg2[%scan3A_459, %dma_start3A_615, %dma_start3A_616] : memref<2x10112x64xf32, #tpu.memory_space<hbm>> -> memref<1x10112x64xf32, #tpu.memory_space<hbm>>
          %dma_start3A_618 = tpu.memref_squeeze %dma_start3A_617 : memref<1x10112x64xf32, #tpu.memory_space<hbm>> -> memref<10112x64xf32, #tpu.memory_space<hbm>>
          %dma_start3A_619 = arith.constant 0 : i32
          %dma_start3A_620 = arith.constant 0 : i32
          %dma_start3A_621 = tpu.memref_slice %dma_start3A_618[%dma_start3A_619, %dma_start3A_620] : memref<10112x64xf32, #tpu.memory_space<hbm>> -> memref<10112x64xf32, #tpu.memory_space<hbm>>
          tpu.enqueue_indirect_dma source(%dma_start3A_621 : memref<10112x64xf32, #tpu.memory_space<hbm>>) target(%arg9 : memref<128x64xf32, #tpu.memory_space<vmem>>) offsets(%dma_start3A_614 : memref<128xi32, #tpu.memory_space<vmem>>) semaphore(%arg14 : memref<!tpu.dma_semaphore, #tpu.memory_space<semaphore_mem>>)
        } else {
        }
      }
      %scan3A_464 = arith.constant 40 : i32
      %dma_wait3A_465 = arith.constant 0 : i32
      %dma_wait3A_466 = tpu.memref_slice %arg7[%dma_wait3A_465] : memref<20480xi32, #tpu.memory_space<vmem>> -> memref<128xi32, #tpu.memory_space<vmem>>
      %dma_wait3A_467 = arith.constant 0 : i32
      %dma_wait3A_468 = arith.constant 0 : i32
      %dma_wait3A_469 = tpu.memref_slice %arg12[%dma_wait3A_467, %dma_wait3A_468] : memref<10112x64xf32, #tpu.memory_space<vmem_shared>> -> memref<10112x64xf32, #tpu.memory_space<vmem_shared>>
      tpu.wait_indirect_dma semaphore(%arg19 : memref<!tpu.dma_semaphore, #tpu.memory_space<semaphore_mem>>) src(%arg10 : memref<128x64xf32, #tpu.memory_space<vmem>>) dst(%dma_wait3A_469 : memref<10112x64xf32, #tpu.memory_space<vmem_shared>>)
      %dma_wait3A_470 = arith.constant 0 : i32
      %dma_wait3A_471 = tpu.memref_slice %arg7[%dma_wait3A_470] : memref<20480xi32, #tpu.memory_space<vmem>> -> memref<128xi32, #tpu.memory_space<vmem>>
      %dma_wait3A_472 = arith.constant 0 : i32
      %dma_wait3A_473 = arith.constant 0 : i32
      %dma_wait3A_474 = tpu.memref_slice %arg12[%dma_wait3A_472, %dma_wait3A_473] : memref<10112x64xf32, #tpu.memory_space<vmem_shared>> -> memref<10112x64xf32, #tpu.memory_space<vmem_shared>>
      tpu.wait_indirect_dma semaphore(%arg20 : memref<!tpu.dma_semaphore, #tpu.memory_space<semaphore_mem>>) src(%arg11 : memref<128x64xf32, #tpu.memory_space<vmem>>) dst(%dma_wait3A_474 : memref<10112x64xf32, #tpu.memory_space<vmem_shared>>)
    } else {
    }
    %barrier3A_437 = arith.constant 0 : index
    tpu.barrier barrier_id(%barrier3A_437)
    "tpu.region"() ({
      %run_scoped3A = tpu.sem_alloc : memref<!tpu.dma_semaphore, #tpu.memory_space<semaphore_mem>>
      %dma_start3A_438 = arith.constant 0 : i32
      %dma_start3A_439 = tpu.memref_slice %arg5[%arg0, %mul3A_408, %dma_start3A_438] : memref<2x10112x64xf32, #tpu.memory_space<hbm>> -> memref<1x632x64xf32, #tpu.memory_space<hbm>>
      %dma_start3A_440 = tpu.memref_squeeze %dma_start3A_439 : memref<1x632x64xf32, #tpu.memory_space<hbm>> -> memref<632x64xf32, #tpu.memory_space<hbm>>
      %dma_start3A_441 = arith.constant 0 : i32
      %dma_start3A_442 = tpu.memref_slice %arg12[%mul3A_408, %dma_start3A_441] : memref<10112x64xf32, #tpu.memory_space<vmem_shared>> -> memref<632x64xf32, #tpu.memory_space<vmem_shared>>
      tpu.enqueue_dma source(%dma_start3A_442 : memref<632x64xf32, #tpu.memory_space<vmem_shared>>) target(%dma_start3A_440 : memref<632x64xf32, #tpu.memory_space<hbm>>) target_semaphore(%run_scoped3A : memref<!tpu.dma_semaphore, #tpu.memory_space<semaphore_mem>>)
      %dma_wait3A_443 = arith.constant 0 : i32
      %dma_wait3A_444 = tpu.memref_slice %arg5[%arg0, %mul3A_408, %dma_wait3A_443] : memref<2x10112x64xf32, #tpu.memory_space<hbm>> -> memref<1x632x64xf32, #tpu.memory_space<hbm>>
      %dma_wait3A_445 = tpu.memref_squeeze %dma_wait3A_444 : memref<1x632x64xf32, #tpu.memory_space<hbm>> -> memref<632x64xf32, #tpu.memory_space<hbm>>
      %dma_wait3A_446 = arith.constant 0 : i32
      %dma_wait3A_447 = tpu.memref_slice %arg12[%mul3A_408, %dma_wait3A_446] : memref<10112x64xf32, #tpu.memory_space<vmem_shared>> -> memref<632x64xf32, #tpu.memory_space<vmem_shared>>
      tpu.wait_dma2 semaphore(%run_scoped3A : memref<!tpu.dma_semaphore, #tpu.memory_space<semaphore_mem>>) src(%dma_wait3A_447 : memref<632x64xf32, #tpu.memory_space<vmem_shared>>) dst(%dma_wait3A_445 : memref<632x64xf32, #tpu.memory_space<hbm>>)
      tpu.yield
    }) : () -> ()
    return
  }
}

#map = affine_map<(d0, d1) -> (0)>
#map1 = affine_map<(d0, d1) -> (0, 0)>
module attributes {stable_mosaic.version = 14 : i64} {
  func.func @_deg_kernel_body(%arg0: i32, %arg1: i32, %arg2: memref<320000xi32, #tpu.memory_space<hbm>>, %arg3: memref<32x10112xf32, #tpu.memory_space<hbm>>, %arg4: memref<10000xi32, #tpu.memory_space<vmem>>, %arg5: memref<10112xf32, #tpu.memory_space<vmem>>) attributes {dimension_semantics = [#tpu.dimension_semantics<core_parallel>, #tpu.dimension_semantics<subcore_parallel>], iteration_bounds = array<i64: 2, 16>, scalar_prefetch = 0 : i64, scratch_operands = 2 : i64, tpu.core_type = #tpu.core_type<sc_vector_subcore>, window_params = [{transform_indices = #map}, {transform_indices = #map1}]} {
    %mul3A = arith.constant 2 : i32
    %mul3A_0 = arith.muli %arg1, %mul3A : i32
    %add3A = arith.addi %mul3A_0, %arg0 : i32
    %broadcast_in_dim3A = arith.constant 0.000000e+00 : f32
    %broadcast_in_dim3A_1 = vector.broadcast %broadcast_in_dim3A : f32 to vector<16xf32>
    %scan3A = arith.constant 0 : i32
    %scan3A_2 = arith.constant 0 : i32
    %scan3A_3 = arith.constant 632 : i32
    %scan3A_4 = arith.addi %scan3A_2, %scan3A_3 : i32
    %scan3A_5 = arith.constant 1 : i32
    scf.for %scan3A_17 = %scan3A_2 to %scan3A_4 step %scan3A_5  : i32 {
      %mul3A_18 = arith.constant 16 : i32
      %mul3A_19 = arith.muli %scan3A_17, %mul3A_18 : i32
      %swap3A = arith.index_cast %mul3A_19 : i32 to index
      %swap3A_20 = tpu.vector_load %arg5[%swap3A] {strides = array<i32>} : memref<10112xf32, #tpu.memory_space<vmem>>, vector<16xf32>,
      tpu.vector_store %arg5[%swap3A], %broadcast_in_dim3A_1 {strides = array<i32>} : memref<10112xf32, #tpu.memory_space<vmem>>, vector<16xf32>,
    }
    %scan3A_6 = arith.constant 632 : i32
    %mul3A_7 = arith.constant 10000 : i32
    %mul3A_8 = arith.muli %add3A, %mul3A_7 : i32
    "tpu.region"() ({
      %run_scoped3A = tpu.sem_alloc : memref<!tpu.dma_semaphore, #tpu.memory_space<semaphore_mem>>
      %dma_start3A = tpu.memref_slice %arg2[%mul3A_8] : memref<320000xi32, #tpu.memory_space<hbm>> -> memref<10000xi32, #tpu.memory_space<hbm>>
      %dma_start3A_17 = tpu.memref_slice %arg2[%mul3A_8] : memref<320000xi32, #tpu.memory_space<hbm>> -> memref<10000xi32, #tpu.memory_space<hbm>>
      tpu.enqueue_dma source(%dma_start3A_17 : memref<10000xi32, #tpu.memory_space<hbm>>) target(%arg4 : memref<10000xi32, #tpu.memory_space<vmem>>) target_semaphore(%run_scoped3A : memref<!tpu.dma_semaphore, #tpu.memory_space<semaphore_mem>>)
      %dma_wait3A = tpu.memref_slice %arg2[%mul3A_8] : memref<320000xi32, #tpu.memory_space<hbm>> -> memref<10000xi32, #tpu.memory_space<hbm>>
      %dma_wait3A_18 = tpu.memref_slice %arg2[%mul3A_8] : memref<320000xi32, #tpu.memory_space<hbm>> -> memref<10000xi32, #tpu.memory_space<hbm>>
      tpu.wait_dma2 semaphore(%run_scoped3A : memref<!tpu.dma_semaphore, #tpu.memory_space<semaphore_mem>>) src(%dma_wait3A_18 : memref<10000xi32, #tpu.memory_space<hbm>>) dst(%arg4 : memref<10000xi32, #tpu.memory_space<vmem>>)
      tpu.yield
    }) : () -> ()
    %broadcast_in_dim3A_9 = arith.constant 1.000000e+00 : f32
    %broadcast_in_dim3A_10 = vector.broadcast %broadcast_in_dim3A_9 : f32 to vector<16xf32>
    %scan3A_11 = arith.constant 0 : i32
    %scan3A_12 = arith.constant 0 : i32
    %scan3A_13 = arith.constant 125 : i32
    %scan3A_14 = arith.addi %scan3A_12, %scan3A_13 : i32
    %scan3A_15 = arith.constant 1 : i32
    scf.for %scan3A_17 = %scan3A_12 to %scan3A_14 step %scan3A_15  : i32 {
      %mul3A_18 = arith.constant 80 : i32
      %mul3A_19 = arith.muli %scan3A_17, %mul3A_18 : i32
      %add3A_20 = arith.constant 0 : i32
      %add3A_21 = arith.addi %mul3A_19, %add3A_20 : i32
      %get3A = arith.index_cast %add3A_21 : i32 to index
      %get3A_22 = tpu.vector_load %arg4[%get3A] {strides = array<i32>} : memref<10000xi32, #tpu.memory_space<vmem>>, vector<16xi32>,
      tpu.vector_store_idx %arg5[%get3A_22], %broadcast_in_dim3A_10 {add = true} : memref<10112xf32, #tpu.memory_space<vmem>>[vector<16xi32>], vector<16xf32>,
      %mul3A_23 = arith.constant 80 : i32
      %mul3A_24 = arith.muli %scan3A_17, %mul3A_23 : i32
      %add3A_25 = arith.constant 16 : i32
      %add3A_26 = arith.addi %mul3A_24, %add3A_25 : i32
      %get3A_27 = arith.index_cast %add3A_26 : i32 to index
      %get3A_28 = tpu.vector_load %arg4[%get3A_27] {strides = array<i32>} : memref<10000xi32, #tpu.memory_space<vmem>>, vector<16xi32>,
      tpu.vector_store_idx %arg5[%get3A_28], %broadcast_in_dim3A_10 {add = true} : memref<10112xf32, #tpu.memory_space<vmem>>[vector<16xi32>], vector<16xf32>,
      %mul3A_29 = arith.constant 80 : i32
      %mul3A_30 = arith.muli %scan3A_17, %mul3A_29 : i32
      %add3A_31 = arith.constant 32 : i32
      %add3A_32 = arith.addi %mul3A_30, %add3A_31 : i32
      %get3A_33 = arith.index_cast %add3A_32 : i32 to index
      %get3A_34 = tpu.vector_load %arg4[%get3A_33] {strides = array<i32>} : memref<10000xi32, #tpu.memory_space<vmem>>, vector<16xi32>,
      tpu.vector_store_idx %arg5[%get3A_34], %broadcast_in_dim3A_10 {add = true} : memref<10112xf32, #tpu.memory_space<vmem>>[vector<16xi32>], vector<16xf32>,
      %mul3A_35 = arith.constant 80 : i32
      %mul3A_36 = arith.muli %scan3A_17, %mul3A_35 : i32
      %add3A_37 = arith.constant 48 : i32
      %add3A_38 = arith.addi %mul3A_36, %add3A_37 : i32
      %get3A_39 = arith.index_cast %add3A_38 : i32 to index
      %get3A_40 = tpu.vector_load %arg4[%get3A_39] {strides = array<i32>} : memref<10000xi32, #tpu.memory_space<vmem>>, vector<16xi32>,
      tpu.vector_store_idx %arg5[%get3A_40], %broadcast_in_dim3A_10 {add = true} : memref<10112xf32, #tpu.memory_space<vmem>>[vector<16xi32>], vector<16xf32>,
      %mul3A_41 = arith.constant 80 : i32
      %mul3A_42 = arith.muli %scan3A_17, %mul3A_41 : i32
      %add3A_43 = arith.constant 64 : i32
      %add3A_44 = arith.addi %mul3A_42, %add3A_43 : i32
      %get3A_45 = arith.index_cast %add3A_44 : i32 to index
      %get3A_46 = tpu.vector_load %arg4[%get3A_45] {strides = array<i32>} : memref<10000xi32, #tpu.memory_space<vmem>>, vector<16xi32>,
      tpu.vector_store_idx %arg5[%get3A_46], %broadcast_in_dim3A_10 {add = true} : memref<10112xf32, #tpu.memory_space<vmem>>[vector<16xi32>], vector<16xf32>,
    }
    %scan3A_16 = arith.constant 125 : i32
    "tpu.region"() ({
      %run_scoped3A = tpu.sem_alloc : memref<!tpu.dma_semaphore, #tpu.memory_space<semaphore_mem>>
      %dma_start3A = arith.constant 0 : i32
      %dma_start3A_17 = tpu.memref_slice %arg3[%add3A, %dma_start3A] : memref<32x10112xf32, #tpu.memory_space<hbm>> -> memref<1x10112xf32, #tpu.memory_space<hbm>>
      %dma_start3A_18 = tpu.memref_squeeze %dma_start3A_17 : memref<1x10112xf32, #tpu.memory_space<hbm>> -> memref<10112xf32, #tpu.memory_space<hbm>>
      %dma_start3A_19 = arith.constant 0 : i32
      %dma_start3A_20 = tpu.memref_slice %arg3[%add3A, %dma_start3A_19] : memref<32x10112xf32, #tpu.memory_space<hbm>> -> memref<1x10112xf32, #tpu.memory_space<hbm>>
      %dma_start3A_21 = tpu.memref_squeeze %dma_start3A_20 : memref<1x10112xf32, #tpu.memory_space<hbm>> -> memref<10112xf32, #tpu.memory_space<hbm>>
      tpu.enqueue_dma source(%arg5 : memref<10112xf32, #tpu.memory_space<vmem>>) target(%dma_start3A_21 : memref<10112xf32, #tpu.memory_space<hbm>>) target_semaphore(%run_scoped3A : memref<!tpu.dma_semaphore, #tpu.memory_space<semaphore_mem>>)
      %dma_wait3A = arith.constant 0 : i32
      %dma_wait3A_22 = tpu.memref_slice %arg3[%add3A, %dma_wait3A] : memref<32x10112xf32, #tpu.memory_space<hbm>> -> memref<1x10112xf32, #tpu.memory_space<hbm>>
      %dma_wait3A_23 = tpu.memref_squeeze %dma_wait3A_22 : memref<1x10112xf32, #tpu.memory_space<hbm>> -> memref<10112xf32, #tpu.memory_space<hbm>>
      %dma_wait3A_24 = arith.constant 0 : i32
      %dma_wait3A_25 = tpu.memref_slice %arg3[%add3A, %dma_wait3A_24] : memref<32x10112xf32, #tpu.memory_space<hbm>> -> memref<1x10112xf32, #tpu.memory_space<hbm>>
      %dma_wait3A_26 = tpu.memref_squeeze %dma_wait3A_25 : memref<1x10112xf32, #tpu.memory_space<hbm>> -> memref<10112xf32, #tpu.memory_space<hbm>>
      tpu.wait_dma2 semaphore(%run_scoped3A : memref<!tpu.dma_semaphore, #tpu.memory_space<semaphore_mem>>) src(%arg5 : memref<10112xf32, #tpu.memory_space<vmem>>) dst(%dma_wait3A_26 : memref<10112xf32, #tpu.memory_space<hbm>>)
      tpu.yield
    }) : () -> ()
    return
  }
}

module attributes {stable_mosaic.version = 14 : i64} {
  func.func @_split_kernel_body(%arg0: memref<2x320000xi32, #tpu.memory_space<vmem>>, %arg1: memref<320000xi32, #tpu.memory_space<vmem>>, %arg2: memref<320000xi32, #tpu.memory_space<vmem>>) attributes {dimension_semantics = [], scalar_prefetch = 0 : i64, scratch_operands = 0 : i64, tpu.core_type = #tpu.core_type<tc>} {
    %get3A = arith.constant 0 : index
    %get3A_0 = arith.constant 0 : index
    %get3A_1 = vector.load %arg0[%get3A, %get3A_0] : memref<2x320000xi32, #tpu.memory_space<vmem>>, vector<1x320000xi32>
    %get3A_2 = vector.shape_cast %get3A_1 : vector<1x320000xi32> to vector<320000xi32>
    %swap3A = arith.constant 0 : index
    %swap3A_3 = vector.load %arg1[%swap3A] : memref<320000xi32, #tpu.memory_space<vmem>>, vector<320000xi32>
    tpu.vector_store %arg1[%swap3A], %get3A_2 {strides = array<i32>} : memref<320000xi32, #tpu.memory_space<vmem>>, vector<320000xi32>,
    %get3A_4 = arith.constant 1 : index
    %get3A_5 = arith.constant 0 : index
    %get3A_6 = vector.load %arg0[%get3A_4, %get3A_5] : memref<2x320000xi32, #tpu.memory_space<vmem>>, vector<1x320000xi32>
    %get3A_7 = vector.shape_cast %get3A_6 : vector<1x320000xi32> to vector<320000xi32>
    %swap3A_8 = arith.constant 0 : index
    %swap3A_9 = vector.load %arg2[%swap3A_8] : memref<320000xi32, #tpu.memory_space<vmem>>, vector<320000xi32>
    tpu.vector_store %arg2[%swap3A_8], %get3A_7 {strides = array<i32>} : memref<320000xi32, #tpu.memory_space<vmem>>, vector<320000xi32>,
    return
  }
}

module attributes {stable_mosaic.version = 14 : i64} {
  func.func @_dense_kernel_body(%arg0: i32, %arg1: memref<512x128xf32, #tpu.memory_space<vmem>>, %arg2: memref<32x512xf32, #tpu.memory_space<vmem>>, %arg3: memref<128x128xf32, #tpu.memory_space<vmem>>, %arg4: memref<2x512x64xf32, #tpu.memory_space<vmem>>, %arg5: memref<4x1x128xf32, #tpu.memory_space<vmem>>) attributes {dimension_semantics = [#tpu.dimension_semantics<arbitrary>], iteration_bounds = array<i64: 20>, scalar_prefetch = 0 : i64, scratch_operands = 0 : i64, tpu.core_type = #tpu.core_type<tc>, window_params = [{transform_indices = @transform_0, window_bounds = array<i64: 512, 128>}, {transform_indices = @transform_1, window_bounds = array<i64: 32, 512>}, {pipeline_mode = #tpu.pipeline_mode<synchronous>, transform_indices = @transform_2, window_bounds = array<i64: 128, 128>}, {transform_indices = @transform_3, window_bounds = array<i64: 2, 512, 64>}, {transform_indices = @transform_4, window_bounds = array<i64: 4, 1, 128>}]} {
    %get3A = arith.constant 0 : index
    %get3A_0 = arith.constant 0 : index
    %get3A_1 = vector.load %arg1[%get3A, %get3A_0] : memref<512x128xf32, #tpu.memory_space<vmem>>, vector<512x128xf32>
    %convert_element_type3A = arith.truncf %get3A_1 : vector<512x128xf32> to vector<512x128xbf16>
    %get3A_2 = arith.constant 0 : index
    %get3A_3 = arith.constant 0 : index
    %get3A_4 = vector.load %arg3[%get3A_2, %get3A_3] : memref<128x128xf32, #tpu.memory_space<vmem>>, vector<128x128xf32>
    %convert_element_type3A_5 = arith.truncf %get3A_4 : vector<128x128xf32> to vector<128x128xbf16>
    %dot_general3A = arith.constant dense<0.000000e+00> : vector<512x128xf32>
    %dot_general3A_6 = tpu.matmul %convert_element_type3A, %convert_element_type3A_5, %dot_general3A {dimension_numbers = #tpu.dot_dimension_numbers<[1], [0], [0], [1], [0, 0, 1, 1], [], []>, transpose_lhs_hint = false} : vector<512x128xbf16>, vector<128x128xbf16>, vector<512x128xf32> -> vector<512x128xf32>
    %get3A_7 = arith.constant 0 : index
    %get3A_8 = arith.constant 0 : index
    %get3A_9 = vector.load %arg2[%get3A_7, %get3A_8] : memref<32x512xf32, #tpu.memory_space<vmem>>, vector<32x128xf32>
    %reduce_sum3A = arith.constant dense<0.000000e+00> : vector<128xf32>
    %reduce_sum3A_10 = vector.multi_reduction <add>, %get3A_9, %reduce_sum3A [0] : vector<32x128xf32> to vector<128xf32>
    %broadcast_in_dim3A = vector.shape_cast %reduce_sum3A_10 : vector<128xf32> to vector<1x128xf32>
    %add3A = arith.constant 1.000000e+00 : f32
    %add3A_11 = vector.broadcast %add3A : f32 to vector<1x128xf32>
    %add3A_12 = arith.addf %broadcast_in_dim3A, %add3A_11 : vector<1x128xf32>
    %rsqrt3A = math.rsqrt %add3A_12 : vector<1x128xf32>
    %swap3A = arith.constant 0 : index
    %swap3A_13 = arith.constant 0 : index
    %swap3A_14 = arith.constant 0 : index
    %swap3A_15 = vector.load %arg5[%swap3A, %swap3A_13, %swap3A_14] : memref<4x1x128xf32, #tpu.memory_space<vmem>>, vector<1x1x128xf32>
    %swap3A_16 = vector.shape_cast %swap3A_15 : vector<1x1x128xf32> to vector<1x128xf32>
    %swap3A_17 = vector.shape_cast %rsqrt3A : vector<1x128xf32> to vector<1x1x128xf32>
    tpu.vector_store %arg5[%swap3A, %swap3A_13, %swap3A_14], %swap3A_17 {strides = array<i32>} : memref<4x1x128xf32, #tpu.memory_space<vmem>>, vector<1x1x128xf32>,
    %transpose3A = tpu.transpose %rsqrt3A, [1, 0] : vector<1x128xf32> -> vector<128x1xf32>
    %slice3A = vector.extract_strided_slice %dot_general3A_6 {offsets = [0, 0], sizes = [128, 128], strides = [1, 1]} : vector<512x128xf32> to vector<128x128xf32>
    %mul3A = vector.broadcast %transpose3A : vector<128x1xf32> to vector<128x128xf32>
    %mul3A_18 = arith.mulf %mul3A, %slice3A : vector<128x128xf32>
    %slice3A_19 = vector.extract_strided_slice %mul3A_18 {offsets = [0, 0], sizes = [128, 64], strides = [1, 1]} : vector<128x128xf32> to vector<128x64xf32>
    %swap3A_20 = arith.constant 0 : index
    %swap3A_21 = arith.constant 0 : index
    %swap3A_22 = arith.constant 0 : index
    %swap3A_23 = vector.load %arg4[%swap3A_20, %swap3A_21, %swap3A_22] : memref<2x512x64xf32, #tpu.memory_space<vmem>>, vector<1x128x64xf32>
    %swap3A_24 = vector.shape_cast %swap3A_23 : vector<1x128x64xf32> to vector<128x64xf32>
    %swap3A_25 = vector.shape_cast %slice3A_19 : vector<128x64xf32> to vector<1x128x64xf32>
    tpu.vector_store %arg4[%swap3A_20, %swap3A_21, %swap3A_22], %swap3A_25 {strides = array<i32>} : memref<2x512x64xf32, #tpu.memory_space<vmem>>, vector<1x128x64xf32>,
    %slice3A_26 = vector.extract_strided_slice %mul3A_18 {offsets = [0, 64], sizes = [128, 64], strides = [1, 1]} : vector<128x128xf32> to vector<128x64xf32>
    %swap3A_27 = arith.constant 1 : index
    %swap3A_28 = arith.constant 0 : index
    %swap3A_29 = arith.constant 0 : index
    %swap3A_30 = vector.load %arg4[%swap3A_27, %swap3A_28, %swap3A_29] : memref<2x512x64xf32, #tpu.memory_space<vmem>>, vector<1x128x64xf32>
    %swap3A_31 = vector.shape_cast %swap3A_30 : vector<1x128x64xf32> to vector<128x64xf32>
    %swap3A_32 = vector.shape_cast %slice3A_26 : vector<128x64xf32> to vector<1x128x64xf32>
    tpu.vector_store %arg4[%swap3A_27, %swap3A_28, %swap3A_29], %swap3A_32 {strides = array<i32>} : memref<2x512x64xf32, #tpu.memory_space<vmem>>, vector<1x128x64xf32>,
    %get3A_33 = arith.constant 0 : index
    %get3A_34 = arith.constant 128 : index
    %get3A_35 = vector.load %arg2[%get3A_33, %get3A_34] : memref<32x512xf32, #tpu.memory_space<vmem>>, vector<32x128xf32>
    %reduce_sum3A_36 = arith.constant dense<0.000000e+00> : vector<128xf32>
    %reduce_sum3A_37 = vector.multi_reduction <add>, %get3A_35, %reduce_sum3A_36 [0] : vector<32x128xf32> to vector<128xf32>
    %broadcast_in_dim3A_38 = vector.shape_cast %reduce_sum3A_37 : vector<128xf32> to vector<1x128xf32>
    %add3A_39 = arith.constant 1.000000e+00 : f32
    %add3A_40 = vector.broadcast %add3A_39 : f32 to vector<1x128xf32>
    %add3A_41 = arith.addf %broadcast_in_dim3A_38, %add3A_40 : vector<1x128xf32>
    %rsqrt3A_42 = math.rsqrt %add3A_41 : vector<1x128xf32>
    %swap3A_43 = arith.constant 1 : index
    %swap3A_44 = arith.constant 0 : index
    %swap3A_45 = arith.constant 0 : index
    %swap3A_46 = vector.load %arg5[%swap3A_43, %swap3A_44, %swap3A_45] : memref<4x1x128xf32, #tpu.memory_space<vmem>>, vector<1x1x128xf32>
    %swap3A_47 = vector.shape_cast %swap3A_46 : vector<1x1x128xf32> to vector<1x128xf32>
    %swap3A_48 = vector.shape_cast %rsqrt3A_42 : vector<1x128xf32> to vector<1x1x128xf32>
    tpu.vector_store %arg5[%swap3A_43, %swap3A_44, %swap3A_45], %swap3A_48 {strides = array<i32>} : memref<4x1x128xf32, #tpu.memory_space<vmem>>, vector<1x1x128xf32>,
    %transpose3A_49 = tpu.transpose %rsqrt3A_42, [1, 0] : vector<1x128xf32> -> vector<128x1xf32>
    %slice3A_50 = vector.extract_strided_slice %dot_general3A_6 {offsets = [128, 0], sizes = [128, 128], strides = [1, 1]} : vector<512x128xf32> to vector<128x128xf32>
    %mul3A_51 = vector.broadcast %transpose3A_49 : vector<128x1xf32> to vector<128x128xf32>
    %mul3A_52 = arith.mulf %mul3A_51, %slice3A_50 : vector<128x128xf32>
    %slice3A_53 = vector.extract_strided_slice %mul3A_52 {offsets = [0, 0], sizes = [128, 64], strides = [1, 1]} : vector<128x128xf32> to vector<128x64xf32>
    %swap3A_54 = arith.constant 0 : index
    %swap3A_55 = arith.constant 128 : index
    %swap3A_56 = arith.constant 0 : index
    %swap3A_57 = vector.load %arg4[%swap3A_54, %swap3A_55, %swap3A_56] : memref<2x512x64xf32, #tpu.memory_space<vmem>>, vector<1x128x64xf32>
    %swap3A_58 = vector.shape_cast %swap3A_57 : vector<1x128x64xf32> to vector<128x64xf32>
    %swap3A_59 = vector.shape_cast %slice3A_53 : vector<128x64xf32> to vector<1x128x64xf32>
    tpu.vector_store %arg4[%swap3A_54, %swap3A_55, %swap3A_56], %swap3A_59 {strides = array<i32>} : memref<2x512x64xf32, #tpu.memory_space<vmem>>, vector<1x128x64xf32>,
    %slice3A_60 = vector.extract_strided_slice %mul3A_52 {offsets = [0, 64], sizes = [128, 64], strides = [1, 1]} : vector<128x128xf32> to vector<128x64xf32>
    %swap3A_61 = arith.constant 1 : index
    %swap3A_62 = arith.constant 128 : index
    %swap3A_63 = arith.constant 0 : index
    %swap3A_64 = vector.load %arg4[%swap3A_61, %swap3A_62, %swap3A_63] : memref<2x512x64xf32, #tpu.memory_space<vmem>>, vector<1x128x64xf32>
    %swap3A_65 = vector.shape_cast %swap3A_64 : vector<1x128x64xf32> to vector<128x64xf32>
    %swap3A_66 = vector.shape_cast %slice3A_60 : vector<128x64xf32> to vector<1x128x64xf32>
    tpu.vector_store %arg4[%swap3A_61, %swap3A_62, %swap3A_63], %swap3A_66 {strides = array<i32>} : memref<2x512x64xf32, #tpu.memory_space<vmem>>, vector<1x128x64xf32>,
    %get3A_67 = arith.constant 0 : index
    %get3A_68 = arith.constant 256 : index
    %get3A_69 = vector.load %arg2[%get3A_67, %get3A_68] : memref<32x512xf32, #tpu.memory_space<vmem>>, vector<32x128xf32>
    %reduce_sum3A_70 = arith.constant dense<0.000000e+00> : vector<128xf32>
    %reduce_sum3A_71 = vector.multi_reduction <add>, %get3A_69, %reduce_sum3A_70 [0] : vector<32x128xf32> to vector<128xf32>
    %broadcast_in_dim3A_72 = vector.shape_cast %reduce_sum3A_71 : vector<128xf32> to vector<1x128xf32>
    %add3A_73 = arith.constant 1.000000e+00 : f32
    %add3A_74 = vector.broadcast %add3A_73 : f32 to vector<1x128xf32>
    %add3A_75 = arith.addf %broadcast_in_dim3A_72, %add3A_74 : vector<1x128xf32>
    %rsqrt3A_76 = math.rsqrt %add3A_75 : vector<1x128xf32>
    %swap3A_77 = arith.constant 2 : index
    %swap3A_78 = arith.constant 0 : index
    %swap3A_79 = arith.constant 0 : index
    %swap3A_80 = vector.load %arg5[%swap3A_77, %swap3A_78, %swap3A_79] : memref<4x1x128xf32, #tpu.memory_space<vmem>>, vector<1x1x128xf32>
    %swap3A_81 = vector.shape_cast %swap3A_80 : vector<1x1x128xf32> to vector<1x128xf32>
    %swap3A_82 = vector.shape_cast %rsqrt3A_76 : vector<1x128xf32> to vector<1x1x128xf32>
    tpu.vector_store %arg5[%swap3A_77, %swap3A_78, %swap3A_79], %swap3A_82 {strides = array<i32>} : memref<4x1x128xf32, #tpu.memory_space<vmem>>, vector<1x1x128xf32>,
    %transpose3A_83 = tpu.transpose %rsqrt3A_76, [1, 0] : vector<1x128xf32> -> vector<128x1xf32>
    %slice3A_84 = vector.extract_strided_slice %dot_general3A_6 {offsets = [256, 0], sizes = [128, 128], strides = [1, 1]} : vector<512x128xf32> to vector<128x128xf32>
    %mul3A_85 = vector.broadcast %transpose3A_83 : vector<128x1xf32> to vector<128x128xf32>
    %mul3A_86 = arith.mulf %mul3A_85, %slice3A_84 : vector<128x128xf32>
    %slice3A_87 = vector.extract_strided_slice %mul3A_86 {offsets = [0, 0], sizes = [128, 64], strides = [1, 1]} : vector<128x128xf32> to vector<128x64xf32>
    %swap3A_88 = arith.constant 0 : index
    %swap3A_89 = arith.constant 256 : index
    %swap3A_90 = arith.constant 0 : index
    %swap3A_91 = vector.load %arg4[%swap3A_88, %swap3A_89, %swap3A_90] : memref<2x512x64xf32, #tpu.memory_space<vmem>>, vector<1x128x64xf32>
    %swap3A_92 = vector.shape_cast %swap3A_91 : vector<1x128x64xf32> to vector<128x64xf32>
    %swap3A_93 = vector.shape_cast %slice3A_87 : vector<128x64xf32> to vector<1x128x64xf32>
    tpu.vector_store %arg4[%swap3A_88, %swap3A_89, %swap3A_90], %swap3A_93 {strides = array<i32>} : memref<2x512x64xf32, #tpu.memory_space<vmem>>, vector<1x128x64xf32>,
    %slice3A_94 = vector.extract_strided_slice %mul3A_86 {offsets = [0, 64], sizes = [128, 64], strides = [1, 1]} : vector<128x128xf32> to vector<128x64xf32>
    %swap3A_95 = arith.constant 1 : index
    %swap3A_96 = arith.constant 256 : index
    %swap3A_97 = arith.constant 0 : index
    %swap3A_98 = vector.load %arg4[%swap3A_95, %swap3A_96, %swap3A_97] : memref<2x512x64xf32, #tpu.memory_space<vmem>>, vector<1x128x64xf32>
    %swap3A_99 = vector.shape_cast %swap3A_98 : vector<1x128x64xf32> to vector<128x64xf32>
    %swap3A_100 = vector.shape_cast %slice3A_94 : vector<128x64xf32> to vector<1x128x64xf32>
    tpu.vector_store %arg4[%swap3A_95, %swap3A_96, %swap3A_97], %swap3A_100 {strides = array<i32>} : memref<2x512x64xf32, #tpu.memory_space<vmem>>, vector<1x128x64xf32>,
    %get3A_101 = arith.constant 0 : index
    %get3A_102 = arith.constant 384 : index
    %get3A_103 = vector.load %arg2[%get3A_101, %get3A_102] : memref<32x512xf32, #tpu.memory_space<vmem>>, vector<32x128xf32>
    %reduce_sum3A_104 = arith.constant dense<0.000000e+00> : vector<128xf32>
    %reduce_sum3A_105 = vector.multi_reduction <add>, %get3A_103, %reduce_sum3A_104 [0] : vector<32x128xf32> to vector<128xf32>
    %broadcast_in_dim3A_106 = vector.shape_cast %reduce_sum3A_105 : vector<128xf32> to vector<1x128xf32>
    %add3A_107 = arith.constant 1.000000e+00 : f32
    %add3A_108 = vector.broadcast %add3A_107 : f32 to vector<1x128xf32>
    %add3A_109 = arith.addf %broadcast_in_dim3A_106, %add3A_108 : vector<1x128xf32>
    %rsqrt3A_110 = math.rsqrt %add3A_109 : vector<1x128xf32>
    %swap3A_111 = arith.constant 3 : index
    %swap3A_112 = arith.constant 0 : index
    %swap3A_113 = arith.constant 0 : index
    %swap3A_114 = vector.load %arg5[%swap3A_111, %swap3A_112, %swap3A_113] : memref<4x1x128xf32, #tpu.memory_space<vmem>>, vector<1x1x128xf32>
    %swap3A_115 = vector.shape_cast %swap3A_114 : vector<1x1x128xf32> to vector<1x128xf32>
    %swap3A_116 = vector.shape_cast %rsqrt3A_110 : vector<1x128xf32> to vector<1x1x128xf32>
    tpu.vector_store %arg5[%swap3A_111, %swap3A_112, %swap3A_113], %swap3A_116 {strides = array<i32>} : memref<4x1x128xf32, #tpu.memory_space<vmem>>, vector<1x1x128xf32>,
    %transpose3A_117 = tpu.transpose %rsqrt3A_110, [1, 0] : vector<1x128xf32> -> vector<128x1xf32>
    %slice3A_118 = vector.extract_strided_slice %dot_general3A_6 {offsets = [384, 0], sizes = [128, 128], strides = [1, 1]} : vector<512x128xf32> to vector<128x128xf32>
    %mul3A_119 = vector.broadcast %transpose3A_117 : vector<128x1xf32> to vector<128x128xf32>
    %mul3A_120 = arith.mulf %mul3A_119, %slice3A_118 : vector<128x128xf32>
    %slice3A_121 = vector.extract_strided_slice %mul3A_120 {offsets = [0, 0], sizes = [128, 64], strides = [1, 1]} : vector<128x128xf32> to vector<128x64xf32>
    %swap3A_122 = arith.constant 0 : index
    %swap3A_123 = arith.constant 384 : index
    %swap3A_124 = arith.constant 0 : index
    %swap3A_125 = vector.load %arg4[%swap3A_122, %swap3A_123, %swap3A_124] : memref<2x512x64xf32, #tpu.memory_space<vmem>>, vector<1x128x64xf32>
    %swap3A_126 = vector.shape_cast %swap3A_125 : vector<1x128x64xf32> to vector<128x64xf32>
    %swap3A_127 = vector.shape_cast %slice3A_121 : vector<128x64xf32> to vector<1x128x64xf32>
    tpu.vector_store %arg4[%swap3A_122, %swap3A_123, %swap3A_124], %swap3A_127 {strides = array<i32>} : memref<2x512x64xf32, #tpu.memory_space<vmem>>, vector<1x128x64xf32>,
    %slice3A_128 = vector.extract_strided_slice %mul3A_120 {offsets = [0, 64], sizes = [128, 64], strides = [1, 1]} : vector<128x128xf32> to vector<128x64xf32>
    %swap3A_129 = arith.constant 1 : index
    %swap3A_130 = arith.constant 384 : index
    %swap3A_131 = arith.constant 0 : index
    %swap3A_132 = vector.load %arg4[%swap3A_129, %swap3A_130, %swap3A_131] : memref<2x512x64xf32, #tpu.memory_space<vmem>>, vector<1x128x64xf32>
    %swap3A_133 = vector.shape_cast %swap3A_132 : vector<1x128x64xf32> to vector<128x64xf32>
    %swap3A_134 = vector.shape_cast %slice3A_128 : vector<128x64xf32> to vector<1x128x64xf32>
    tpu.vector_store %arg4[%swap3A_129, %swap3A_130, %swap3A_131], %swap3A_134 {strides = array<i32>} : memref<2x512x64xf32, #tpu.memory_space<vmem>>, vector<1x128x64xf32>,
    return
  }
  func.func @transform_0(%arg0: i32) -> (i32, i32) {
    %c0_i32 = arith.constant 0 : i32
    %c0_i32_0 = arith.constant 0 : i32
    return %arg0, %c0_i32 : i32, i32
  }
  func.func @transform_1(%arg0: i32) -> (i32, i32) {
    %c0_i32 = arith.constant 0 : i32
    %c0_i32_0 = arith.constant 0 : i32
    return %c0_i32, %arg0 : i32, i32
  }
  func.func @transform_2(%arg0: i32) -> (i32, i32) {
    %c0_i32 = arith.constant 0 : i32
    %c0_i32_0 = arith.constant 0 : i32
    %c0_i32_1 = arith.constant 0 : i32
    return %c0_i32, %c0_i32_0 : i32, i32
  }
  func.func @transform_3(%arg0: i32) -> (i32, i32, i32) {
    %c0_i32 = arith.constant 0 : i32
    %c0_i32_0 = arith.constant 0 : i32
    %c0_i32_1 = arith.constant 0 : i32
    return %c0_i32, %arg0, %c0_i32_0 : i32, i32, i32
  }
  func.func @transform_4(%arg0: i32) -> (i32, i32, i32) {
    %c0_i32 = arith.constant 0 : i32
    %c0_i32_0 = arith.constant 0 : i32
    %c0_i32_1 = arith.constant 0 : i32
    return %arg0, %c0_i32, %c0_i32_0 : i32, i32, i32
  }
}

module attributes {stable_mosaic.version = 14 : i64} {
  func.func @_final_kernel_body(%arg0: i32, %arg1: memref<512x128xf32, #tpu.memory_space<vmem>>, %arg2: memref<2x512x64xf32, #tpu.memory_space<vmem>>, %arg3: memref<4x1x128xf32, #tpu.memory_space<vmem>>, %arg4: memref<128x128xf32, #tpu.memory_space<vmem>>, %arg5: memref<128x128xf32, #tpu.memory_space<vmem>>, %arg6: memref<1x128xf32, #tpu.memory_space<vmem>>, %arg7: memref<1x128xf32, #tpu.memory_space<vmem>>, %arg8: memref<512x128xf32, #tpu.memory_space<vmem>>) attributes {dimension_semantics = [#tpu.dimension_semantics<arbitrary>], iteration_bounds = array<i64: 20>, scalar_prefetch = 0 : i64, scratch_operands = 0 : i64, tpu.core_type = #tpu.core_type<tc>, window_params = [{transform_indices = @transform_0, window_bounds = array<i64: 512, 128>}, {transform_indices = @transform_1, window_bounds = array<i64: 2, 512, 64>}, {transform_indices = @transform_2, window_bounds = array<i64: 4, 1, 128>}, {pipeline_mode = #tpu.pipeline_mode<synchronous>, transform_indices = @transform_3, window_bounds = array<i64: 128, 128>}, {pipeline_mode = #tpu.pipeline_mode<synchronous>, transform_indices = @transform_4, window_bounds = array<i64: 128, 128>}, {pipeline_mode = #tpu.pipeline_mode<synchronous>, transform_indices = @transform_5, window_bounds = array<i64: 1, 128>}, {pipeline_mode = #tpu.pipeline_mode<synchronous>, transform_indices = @transform_6, window_bounds = array<i64: 1, 128>}, {transform_indices = @transform_7, window_bounds = array<i64: 512, 128>}]} {
    %get3A = arith.constant 0 : index
    %get3A_0 = arith.constant 0 : index
    %get3A_1 = vector.load %arg1[%get3A, %get3A_0] : memref<512x128xf32, #tpu.memory_space<vmem>>, vector<512x128xf32>
    %get3A_2 = arith.constant 0 : index
    %get3A_3 = arith.constant 0 : index
    %get3A_4 = arith.constant 0 : index
    %get3A_5 = vector.load %arg2[%get3A_2, %get3A_3, %get3A_4] : memref<2x512x64xf32, #tpu.memory_space<vmem>>, vector<1x512x64xf32>
    %get3A_6 = vector.shape_cast %get3A_5 : vector<1x512x64xf32> to vector<512x64xf32>
    %get3A_7 = arith.constant 1 : index
    %get3A_8 = arith.constant 0 : index
    %get3A_9 = arith.constant 0 : index
    %get3A_10 = vector.load %arg2[%get3A_7, %get3A_8, %get3A_9] : memref<2x512x64xf32, #tpu.memory_space<vmem>>, vector<1x512x64xf32>
    %get3A_11 = vector.shape_cast %get3A_10 : vector<1x512x64xf32> to vector<512x64xf32>
    %concatenate3A = tpu.concatenate %get3A_6, %get3A_11 in 1 : vector<512x64xf32>, vector<512x64xf32> -> vector<512x128xf32>
    %convert_element_type3A = arith.truncf %get3A_1 : vector<512x128xf32> to vector<512x128xbf16>
    %get3A_12 = arith.constant 0 : index
    %get3A_13 = arith.constant 0 : index
    %get3A_14 = vector.load %arg4[%get3A_12, %get3A_13] : memref<128x128xf32, #tpu.memory_space<vmem>>, vector<128x128xf32>
    %convert_element_type3A_15 = arith.truncf %get3A_14 : vector<128x128xf32> to vector<128x128xbf16>
    %dot_general3A = arith.constant dense<0.000000e+00> : vector<512x128xf32>
    %dot_general3A_16 = tpu.matmul %convert_element_type3A, %convert_element_type3A_15, %dot_general3A {dimension_numbers = #tpu.dot_dimension_numbers<[1], [0], [0], [1], [0, 0, 1, 1], [], []>, transpose_lhs_hint = false} : vector<512x128xbf16>, vector<128x128xbf16>, vector<512x128xf32> -> vector<512x128xf32>
    %get3A_17 = arith.constant 0 : index
    %get3A_18 = arith.constant 0 : index
    %get3A_19 = vector.load %arg5[%get3A_17, %get3A_18] : memref<128x128xf32, #tpu.memory_space<vmem>>, vector<128x128xf32>
    %convert_element_type3A_20 = arith.truncf %get3A_19 : vector<128x128xf32> to vector<128x128xbf16>
    %dot_general3A_21 = arith.constant dense<0.000000e+00> : vector<512x128xf32>
    %dot_general3A_22 = tpu.matmul %convert_element_type3A, %convert_element_type3A_20, %dot_general3A_21 {dimension_numbers = #tpu.dot_dimension_numbers<[1], [0], [0], [1], [0, 0, 1, 1], [], []>, transpose_lhs_hint = false} : vector<512x128xbf16>, vector<128x128xbf16>, vector<512x128xf32> -> vector<512x128xf32>
    %get3A_23 = arith.constant 0 : index
    %get3A_24 = arith.constant 0 : index
    %get3A_25 = arith.constant 0 : index
    %get3A_26 = vector.load %arg3[%get3A_23, %get3A_24, %get3A_25] : memref<4x1x128xf32, #tpu.memory_space<vmem>>, vector<1x1x128xf32>
    %get3A_27 = vector.shape_cast %get3A_26 : vector<1x1x128xf32> to vector<1x128xf32>
    %transpose3A = tpu.transpose %get3A_27, [1, 0] : vector<1x128xf32> -> vector<128x1xf32>
    %slice3A = vector.extract_strided_slice %concatenate3A {offsets = [0, 0], sizes = [128, 128], strides = [1, 1]} : vector<512x128xf32> to vector<128x128xf32>
    %slice3A_28 = vector.extract_strided_slice %dot_general3A_16 {offsets = [0, 0], sizes = [128, 128], strides = [1, 1]} : vector<512x128xf32> to vector<128x128xf32>
    %mul3A = vector.broadcast %transpose3A : vector<128x1xf32> to vector<128x128xf32>
    %mul3A_29 = arith.mulf %mul3A, %slice3A_28 : vector<128x128xf32>
    %add3A = arith.addf %slice3A, %mul3A_29 : vector<128x128xf32>
    %mul3A_30 = vector.broadcast %transpose3A : vector<128x1xf32> to vector<128x128xf32>
    %mul3A_31 = arith.mulf %mul3A_30, %add3A : vector<128x128xf32>
    %slice3A_32 = vector.extract_strided_slice %dot_general3A_22 {offsets = [0, 0], sizes = [128, 128], strides = [1, 1]} : vector<512x128xf32> to vector<128x128xf32>
    %add3A_33 = arith.addf %mul3A_31, %slice3A_32 : vector<128x128xf32>
    %get3A_34 = arith.constant 1 : index
    %get3A_35 = arith.constant 0 : index
    %get3A_36 = arith.constant 0 : index
    %get3A_37 = vector.load %arg3[%get3A_34, %get3A_35, %get3A_36] : memref<4x1x128xf32, #tpu.memory_space<vmem>>, vector<1x1x128xf32>
    %get3A_38 = vector.shape_cast %get3A_37 : vector<1x1x128xf32> to vector<1x128xf32>
    %transpose3A_39 = tpu.transpose %get3A_38, [1, 0] : vector<1x128xf32> -> vector<128x1xf32>
    %slice3A_40 = vector.extract_strided_slice %concatenate3A {offsets = [128, 0], sizes = [128, 128], strides = [1, 1]} : vector<512x128xf32> to vector<128x128xf32>
    %slice3A_41 = vector.extract_strided_slice %dot_general3A_16 {offsets = [128, 0], sizes = [128, 128], strides = [1, 1]} : vector<512x128xf32> to vector<128x128xf32>
    %mul3A_42 = vector.broadcast %transpose3A_39 : vector<128x1xf32> to vector<128x128xf32>
    %mul3A_43 = arith.mulf %mul3A_42, %slice3A_41 : vector<128x128xf32>
    %add3A_44 = arith.addf %slice3A_40, %mul3A_43 : vector<128x128xf32>
    %mul3A_45 = vector.broadcast %transpose3A_39 : vector<128x1xf32> to vector<128x128xf32>
    %mul3A_46 = arith.mulf %mul3A_45, %add3A_44 : vector<128x128xf32>
    %slice3A_47 = vector.extract_strided_slice %dot_general3A_22 {offsets = [128, 0], sizes = [128, 128], strides = [1, 1]} : vector<512x128xf32> to vector<128x128xf32>
    %add3A_48 = arith.addf %mul3A_46, %slice3A_47 : vector<128x128xf32>
    %get3A_49 = arith.constant 2 : index
    %get3A_50 = arith.constant 0 : index
    %get3A_51 = arith.constant 0 : index
    %get3A_52 = vector.load %arg3[%get3A_49, %get3A_50, %get3A_51] : memref<4x1x128xf32, #tpu.memory_space<vmem>>, vector<1x1x128xf32>
    %get3A_53 = vector.shape_cast %get3A_52 : vector<1x1x128xf32> to vector<1x128xf32>
    %transpose3A_54 = tpu.transpose %get3A_53, [1, 0] : vector<1x128xf32> -> vector<128x1xf32>
    %slice3A_55 = vector.extract_strided_slice %concatenate3A {offsets = [256, 0], sizes = [128, 128], strides = [1, 1]} : vector<512x128xf32> to vector<128x128xf32>
    %slice3A_56 = vector.extract_strided_slice %dot_general3A_16 {offsets = [256, 0], sizes = [128, 128], strides = [1, 1]} : vector<512x128xf32> to vector<128x128xf32>
    %mul3A_57 = vector.broadcast %transpose3A_54 : vector<128x1xf32> to vector<128x128xf32>
    %mul3A_58 = arith.mulf %mul3A_57, %slice3A_56 : vector<128x128xf32>
    %add3A_59 = arith.addf %slice3A_55, %mul3A_58 : vector<128x128xf32>
    %mul3A_60 = vector.broadcast %transpose3A_54 : vector<128x1xf32> to vector<128x128xf32>
    %mul3A_61 = arith.mulf %mul3A_60, %add3A_59 : vector<128x128xf32>
    %slice3A_62 = vector.extract_strided_slice %dot_general3A_22 {offsets = [256, 0], sizes = [128, 128], strides = [1, 1]} : vector<512x128xf32> to vector<128x128xf32>
    %add3A_63 = arith.addf %mul3A_61, %slice3A_62 : vector<128x128xf32>
    %get3A_64 = arith.constant 3 : index
    %get3A_65 = arith.constant 0 : index
    %get3A_66 = arith.constant 0 : index
    %get3A_67 = vector.load %arg3[%get3A_64, %get3A_65, %get3A_66] : memref<4x1x128xf32, #tpu.memory_space<vmem>>, vector<1x1x128xf32>
    %get3A_68 = vector.shape_cast %get3A_67 : vector<1x1x128xf32> to vector<1x128xf32>
    %transpose3A_69 = tpu.transpose %get3A_68, [1, 0] : vector<1x128xf32> -> vector<128x1xf32>
    %slice3A_70 = vector.extract_strided_slice %concatenate3A {offsets = [384, 0], sizes = [128, 128], strides = [1, 1]} : vector<512x128xf32> to vector<128x128xf32>
    %slice3A_71 = vector.extract_strided_slice %dot_general3A_16 {offsets = [384, 0], sizes = [128, 128], strides = [1, 1]} : vector<512x128xf32> to vector<128x128xf32>
    %mul3A_72 = vector.broadcast %transpose3A_69 : vector<128x1xf32> to vector<128x128xf32>
    %mul3A_73 = arith.mulf %mul3A_72, %slice3A_71 : vector<128x128xf32>
    %add3A_74 = arith.addf %slice3A_70, %mul3A_73 : vector<128x128xf32>
    %mul3A_75 = vector.broadcast %transpose3A_69 : vector<128x1xf32> to vector<128x128xf32>
    %mul3A_76 = arith.mulf %mul3A_75, %add3A_74 : vector<128x128xf32>
    %slice3A_77 = vector.extract_strided_slice %dot_general3A_22 {offsets = [384, 0], sizes = [128, 128], strides = [1, 1]} : vector<512x128xf32> to vector<128x128xf32>
    %add3A_78 = arith.addf %mul3A_76, %slice3A_77 : vector<128x128xf32>
    %concatenate3A_79 = tpu.concatenate %add3A_33, %add3A_48, %add3A_63, %add3A_78 in 0 : vector<128x128xf32>, vector<128x128xf32>, vector<128x128xf32>, vector<128x128xf32> -> vector<512x128xf32>
    %get3A_80 = arith.constant 0 : index
    %get3A_81 = arith.constant 0 : index
    %get3A_82 = vector.load %arg6[%get3A_80, %get3A_81] : memref<1x128xf32, #tpu.memory_space<vmem>>, vector<1x128xf32>
    %add3A_83 = vector.broadcast %get3A_82 : vector<1x128xf32> to vector<512x128xf32>
    %add3A_84 = arith.addf %concatenate3A_79, %add3A_83 : vector<512x128xf32>
    %get3A_85 = arith.constant 0 : index
    %get3A_86 = arith.constant 0 : index
    %get3A_87 = vector.load %arg7[%get3A_85, %get3A_86] : memref<1x128xf32, #tpu.memory_space<vmem>>, vector<1x128xf32>
    %add3A_88 = vector.broadcast %get3A_87 : vector<1x128xf32> to vector<512x128xf32>
    %add3A_89 = arith.addf %add3A_84, %add3A_88 : vector<512x128xf32>
    %min3A = arith.constant 2.000000e+01 : f32
    %min3A_90 = vector.broadcast %min3A : f32 to vector<512x128xf32>
    %min3A_91 = arith.minimumf %add3A_89, %min3A_90 : vector<512x128xf32>
    %exp3A = math.exp %min3A_91 : vector<512x128xf32>
    %add3A_92 = arith.constant 1.000000e+00 : f32
    %add3A_93 = vector.broadcast %add3A_92 : f32 to vector<512x128xf32>
    %add3A_94 = arith.addf %add3A_93, %exp3A : vector<512x128xf32>
    %add3A_95 = arith.constant 1.000000e+00 : f32
    %add3A_96 = vector.broadcast %add3A_95 : f32 to vector<512x128xf32>
    %add3A_97 = arith.addf %add3A_96, %exp3A : vector<512x128xf32>
    %mul3A_98 = arith.mulf %add3A_94, %add3A_97 : vector<512x128xf32>
    %sub3A = arith.constant 1.000000e+00 : f32
    %sub3A_99 = vector.broadcast %sub3A : f32 to vector<512x128xf32>
    %sub3A_100 = arith.subf %mul3A_98, %sub3A_99 : vector<512x128xf32>
    %add3A_101 = arith.constant 1.000000e+00 : f32
    %add3A_102 = vector.broadcast %add3A_101 : f32 to vector<512x128xf32>
    %add3A_103 = arith.addf %mul3A_98, %add3A_102 : vector<512x128xf32>
    %div3A = arith.divf %sub3A_100, %add3A_103 : vector<512x128xf32>
    %mul3A_104 = arith.mulf %add3A_89, %div3A : vector<512x128xf32>
    %swap3A = arith.constant 0 : index
    %swap3A_105 = arith.constant 0 : index
    %swap3A_106 = vector.load %arg8[%swap3A, %swap3A_105] : memref<512x128xf32, #tpu.memory_space<vmem>>, vector<512x128xf32>
    tpu.vector_store %arg8[%swap3A, %swap3A_105], %mul3A_104 {strides = array<i32>} : memref<512x128xf32, #tpu.memory_space<vmem>>, vector<512x128xf32>,
    return
  }
  func.func @transform_0(%arg0: i32) -> (i32, i32) {
    %c0_i32 = arith.constant 0 : i32
    %c0_i32_0 = arith.constant 0 : i32
    return %arg0, %c0_i32 : i32, i32
  }
  func.func @transform_1(%arg0: i32) -> (i32, i32, i32) {
    %c0_i32 = arith.constant 0 : i32
    %c0_i32_0 = arith.constant 0 : i32
    %c0_i32_1 = arith.constant 0 : i32
    return %c0_i32, %arg0, %c0_i32_0 : i32, i32, i32
  }
  func.func @transform_2(%arg0: i32) -> (i32, i32, i32) {
    %c0_i32 = arith.constant 0 : i32
    %c0_i32_0 = arith.constant 0 : i32
    %c0_i32_1 = arith.constant 0 : i32
    return %arg0, %c0_i32, %c0_i32_0 : i32, i32, i32
  }
  func.func @transform_3(%arg0: i32) -> (i32, i32) {
    %c0_i32 = arith.constant 0 : i32
    %c0_i32_0 = arith.constant 0 : i32
    %c0_i32_1 = arith.constant 0 : i32
    return %c0_i32, %c0_i32_0 : i32, i32
  }
  func.func @transform_4(%arg0: i32) -> (i32, i32) {
    %c0_i32 = arith.constant 0 : i32
    %c0_i32_0 = arith.constant 0 : i32
    %c0_i32_1 = arith.constant 0 : i32
    return %c0_i32, %c0_i32_0 : i32, i32
  }
  func.func @transform_5(%arg0: i32) -> (i32, i32) {
    %c0_i32 = arith.constant 0 : i32
    %c0_i32_0 = arith.constant 0 : i32
    %c0_i32_1 = arith.constant 0 : i32
    return %c0_i32, %c0_i32_0 : i32, i32
  }
  func.func @transform_6(%arg0: i32) -> (i32, i32) {
    %c0_i32 = arith.constant 0 : i32
    %c0_i32_0 = arith.constant 0 : i32
    %c0_i32_1 = arith.constant 0 : i32
    return %c0_i32, %c0_i32_0 : i32, i32
  }
  func.func @transform_7(%arg0: i32) -> (i32, i32) {
    %c0_i32 = arith.constant 0 : i32
    %c0_i32_0 = arith.constant 0 : i32
    return %arg0, %c0_i32 : i32, i32
  }
}

</mosaic_0001>

<sc_bundles>
// kernel: kernel.10.cloned.1.call-start
scs
__scs_entry_jumppad:
0x0: {  	(pc) =	sbr.rel $0x88, $3  }
0x1: {  	(tag) =	ssettag $0x0;
	lr =	simm.s32 $0x1  }
0x2: {  	[smem:$0x3F9B] =	sst lr;
	_ =	strace $0xD0000000  }
0x3: {  	_ = 	snop  }
0x4: {  	_ = 	snop  }
0x5: {  	_ = 	snop  }
0x6: {  	_ = 	snop  }
0x7: {  	_ = 	snop  }
__scs_overlays_trampoline_lowered:
0x8: {  	[smem:$0x3FAA] =	sst s0  }
0x9: {  	[smem:$0x3FAB] =	sst s1  }
0xa: {  	[smem:$0x3FAC] =	sst s2  }
0xb: {  	[smem:$0x3FAD] =	sst s3  }
0xc: {  	[smem:$0x3FAE] =	sst s4  }
0xd: {  	[smem:$0x3FAF] =	sst s5  }
0xe: {  	[smem:$0x3FB0] =	sst s6  }
0xf: {  	[smem:$0x3FB1] =	sst s7  }
0x10: {  	[smem:$0x3FB2] =	sst s8  }
0x11: {  	[smem:$0x3FB3] =	sst s9;
	s0 =	simm.s32 @!p0 $0x0  }
0x12: {  	s1 =	sld [smem:$0x3F99];
	s0 =	simm.s32 @p0 $0x1  }
0x13: {  	[smem:$0x3FB4] =	sst s0;
	s0 =	simm.s32 @!p1 $0x0  }
0x14: {  	s2 =	sld [smem:$0x3F98];
	s0 =	simm.s32 @p1 $0x1  }
0x15: {  	[smem:$0x3FB5] =	sst s0;
	s0 =	simm.s32 @!p2 $0x0  }
0x16: {  	s3 =	sld [smem:$0x3FDB];
	s0 =	simm.s32 @p2 $0x1  }
0x17: {  	s4 =	simm.s32 $0x1BF5;
	[smem:$0x3FB7] =	sst s0  }
0x18: {  	s0 =	sld [smem:$0x3F9A];
	_ =	swait.ge [sflag:s4], $0x0  }
0x19: {  	s7 =	sld [smem:$0x3F9B]  }
0x1a: {  	s8 =	sadd.s32 $0xFFFFE003, lr  }
0x1b: {  	s9 =	sadd.s32 $0xFFFFFEF7, lr;
	s5 =	simm.s32 $0xFFFFFFFF;
	p2 =	slt.u32 s8, $0xFFFFF086  }
0x1c: {  	p1 =	slt.u32 s9, $0xF7A;
	s5 =	simm.s32 @!p2 $0x0  }
0x1d: {  	s5 =	simm.s32 @p1 $0x1;
	p0 =	seq.s32 s7, s2  }
0x1e: {  	s7 =	smul.u32 @!p0 $0xF7A, s2;
	p2 =	seq.s32 @!p0 s5, $0x0  }
0x1f: {  	s9 =	smul.u32 $0xF7A, s1;
	s8 =	simm.s32 @!p0 $0x1BF5;
	p2 =	por !p2, p0  }
0x20: {  	[sflag:s8] =	ssyncset.s32 @!p0 $0xFFFFF086;
	s6 =	sadd.s32 @!p0 s3, s7;
	s7 =	simm.s32 @!p0 $0x108  }
0x21: {  	s3 =	sadd.s32 s3, s9;
	s6 =	sadd.s32 @!p0 $0x88, s6;
	s7 =	simm.s32 @p2 $0x1082  }
0x22: {  	[simem:s7], [sflag:s8] =	dma.local @!p0 [hbm:s6], $0xF7A  }
0x23: {  	s9 =	sor.u32 $0xD0000000, s2;
	s6 =	simm.s32 $0x108;
	_ =	swait.ge @!p0 [sflag:s8], $0x0  }
0x24: {  	s3 =	sadd.s32 $0x88, s3;
	s6 =	simm.s32 @!p1 $0x1082;
	[sflag:s4] =	ssyncset.s32 $0xFFFFF086  }
0x25: {  	[simem:s6], [sflag:s4] =	dma.local [hbm:s3], $0xF7A  }
0x26: {  	[smem:$0x3F9B] =	sst s1;
	(tag) =	ssettag s2;
	_ =	strace s9  }
0x27: {  	s1 =	sld [smem:$0x3FAB]  }
0x28: {  	s2 =	sld [smem:$0x3FAC]  }
0x29: {  	s4 =	sld [smem:$0x3FAE]  }
0x2a: {  	p0 =	seq.s32 s5, $0x0;
	s5 =	sld [smem:$0x3FAF]  }
0x2b: {  	s6 =	sld [smem:$0x3FB0]  }
0x2c: {  	s7 =	sld [smem:$0x3FB1]  }
0x2d: {  	s3 =	simm.s32 $0x108;
	s8 =	sld [smem:$0x3FB2]  }
0x2e: {  	s3 =	simm.s32 @!p0 $0x1082;
	s9 =	sld [smem:$0x3FB3]  }
0x2f: {  	lr =	sadd.s32 s0, s3;
	s0 =	sld [smem:$0x3FAA]  }
0x30: {  	s3 =	sld [smem:$0x3FAD]  }
0x31: {  	[smem:$0x3FB6] =	sst s10  }
0x32: {  	s10 =	sld [smem:$0x3FB4];
	_ =	sdelay $0x3  }
0x33: {  	p0 =	seq.s32 s10, $0x1;
	s10 =	sld [smem:$0x3FB6];
	_ =	sdelay $0x3  }
0x34: {  	[smem:$0x3FB6] =	sst s10  }
0x35: {  	s10 =	sld [smem:$0x3FB5];
	_ =	sdelay $0x3  }
0x36: {  	p1 =	seq.s32 s10, $0x1;
	s10 =	sld [smem:$0x3FB6];
	_ =	sdelay $0x3  }
0x37: {  	[smem:$0x3FB6] =	sst s10  }
0x38: {  	s10 =	sld [smem:$0x3FB7]  }
0x39: {  	_ = 	snop;
	(pc) =	sbr.ind lr, $3  }
0x3a: {  	_ = 	snop  }
0x3b: {  	_ = 	snop  }
0x3c: {  	p2 =	seq.s32 s10, $0x1;
	s10 =	sld [smem:$0x3FB6]  }
0x3d: {  	_ =	shalt  }
0x3e: {  	_ =	shalt  }
0x3f: {  	_ =	shalt  }
0x40: {  	_ =	shalt  }
0x41: {  	_ =	shalt  }
0x42: {  	_ =	shalt  }
0x43: {  	_ =	shalt  }
0x44: {  	_ =	shalt  }
0x45: {  	_ =	shalt  }
0x46: {  	_ =	shalt  }
0x47: {  	_ =	shalt  }
0x48: {  	_ =	shalt  }
0x49: {  	_ =	shalt  }
0x4a: {  	_ =	shalt  }
0x4b: {  	_ =	shalt  }
0x4c: {  	_ =	shalt  }
0x4d: {  	_ =	shalt  }
0x4e: {  	_ =	shalt  }
0x4f: {  	_ =	shalt  }
0x50: {  	_ =	shalt  }
0x51: {  	_ =	shalt  }
0x52: {  	_ =	shalt  }
0x53: {  	_ =	shalt  }
0x54: {  	_ =	shalt  }
0x55: {  	_ =	shalt  }
0x56: {  	_ =	shalt  }
0x57: {  	_ =	shalt  }
0x58: {  	_ =	shalt  }
0x59: {  	_ =	shalt  }
0x5a: {  	_ =	shalt  }
0x5b: {  	_ =	shalt  }
0x5c: {  	_ =	shalt  }
0x5d: {  	_ =	shalt  }
0x5e: {  	_ =	shalt  }
0x5f: {  	_ =	shalt  }
0x60: {  	_ =	shalt  }
0x61: {  	_ =	shalt  }
0x62: {  	_ =	shalt  }
0x63: {  	_ =	shalt  }
0x64: {  	_ =	shalt  }
0x65: {  	_ =	shalt  }
0x66: {  	_ =	shalt  }
0x67: {  	_ =	shalt  }
0x68: {  	_ =	shalt  }
0x69: {  	_ =	shalt  }
0x6a: {  	_ =	shalt  }
0x6b: {  	_ =	shalt  }
0x6c: {  	_ =	shalt  }
0x6d: {  	_ =	shalt  }
0x6e: {  	_ =	shalt  }
0x6f: {  	_ =	shalt  }
0x70: {  	_ =	shalt  }
0x71: {  	_ =	shalt  }
0x72: {  	_ =	shalt  }
0x73: {  	_ =	shalt  }
0x74: {  	_ =	shalt  }
0x75: {  	_ =	shalt  }
0x76: {  	_ =	shalt  }
0x77: {  	_ =	shalt  }
0x78: {  	_ =	shalt  }
0x79: {  	_ =	shalt  }
0x7a: {  	_ =	shalt  }
0x7b: {  	_ =	shalt  }
0x7c: {  	_ =	shalt  }
0x7d: {  	_ =	shalt  }
0x7e: {  	_ =	shalt  }
0x7f: {  	_ =	shalt  }
0x80: {  	_ =	shalt  }
0x81: {  	_ =	shalt  }
0x82: {  	_ =	shalt  }
0x83: {  	_ =	shalt  }
0x84: {  	_ =	shalt  }
0x85: {  	_ =	shalt  }
0x86: {  	_ =	shalt  }
0x87: {  	_ =	shalt  }
.Lfunc_end0:
.L_simem_size_0:
called_computation.1_lowered:
.L_overlay_start_0:
0x88: {  	s2 =	sld [smem:$0x3FD9]  }
0x89: {  	s3 =	sld [smem:$0x3FFE];
	_ =	sdelay $0x1  }
0x8a: {  	s1 =	srdreg.scid  }
0x8b: {  	s0 =	sand.u32 $0x1, s1  }
0x8c: {  	s16 =	sshll.u32 s0, $0xA;
	s2 =	sadd.s32 s3, s2  }
0x8d: {  	s2 =	sadd.s32 s2, s16  }
0x8e: {  	[smem:$0x3FC2] =	sst s2  }
0x8f: {  	_ = 	snop  }
0x90: {  	(tm) =	ssettm $0x1  }
0x91: {  	s17 =	sld [smem:$0x3FFB];
	_ =	sdelay $0x3  }
0x92: {  	_ =	strace s17  }
0x93: {  	s2 =	sld [smem:$0x3FFC];
	_ =	sdelay $0x3  }
0x94: {  	_ =	strace s2  }
0x95: {  	s2 =	sld [smem:$0x3FFD];
	_ =	sdelay $0x3  }
0x96: {  	_ =	strace s2  }
0x97: {  	_ =	strace $0x8FFFFFFF  }
0x98: {  	s18 =	sld [smem:$0x3FDB];
	_ =	sdelay $0x1  }
0x99: {  	s19 =	simm.s32 $_scs_section_size  }
0x9a: {  	s4 =	simm.s32 $_size__tile_overlayer_lowered;
	s5 =	simm.s32 $_tile_overlayer_lowered  }
0x9b: {  	s22 =	simm.s32 $0x1BFF;
	s21 =	sshll.u32 s5, $0x1;
	s2 =	sadd.s32 s19, s18  }
0x9c: {  	s6 =	simm.s32 $0x0;
	s20 =	sshll.u32 s4, $0x1;
	s4 =	sadd.s32 s21, s2  }
0x9d: {  	[timem:s6], [sflag:s22] =	dma.local [hbm:s4], s20  }
0x9e: {  	_ =	swait.ge [sflag:s22], s20  }
0x9f: {  	s3 =	ssub.s32 $0x0, s20;
	[sflag:s22] =	ssyncset.done $0x0  }
0xa0: {  	[sflag:s22] =	ssyncadd.s32 s3;
	_ =	sdelay $0x1  }
0xa1: {  	s23 =	simm.s32 $0x1B8B  }
0xa2: {  	_ =	swait.ge [sflag:s23], $0x1  }
0xa3: {  	[sflag:s23] =	ssyncset.done $0x0  }
0xa4: {  	s25 =	simm.s32 $0x1B8E;
	s24 =	sld [smem:$0x3FFE];
	[sflag:s23] =	ssyncadd.s32 $0xFFFFFFFF  }
0xa5: {  	s26 =	simm.s32 $execute0_lowered;
	[smem:$0x3FD2] =	sst s25  }
0xa6: {  	s4 =	sshll.u32 s26, $0x1;
	_ =	strace $0x80000049;
	[dreg:$0x1] =	wrdreg $0xFFFFFFFF  }
0xa7: {  	s28 =	simm.s32 $_size_execute0_lowered;
	s2 =	sadd.s32 s2, s4;
	[dreg:$0x0] =	wrdreg $0x0  }
0xa8: {  	s4 =	sshll.u32 s28, $0x1;
	[dreg:$0x2] =	wrdreg s2  }
0xa9: {  	[dreg:$0x3] =	wrdreg s4  }
0xaa: {  	[dreg:$0x4] =	wrdreg $0xC0  }
0xab: {  	_ =	task [dreg:s6], $0x5FFFF  }
0xac: {  	[dreg:$0x1] =	wrdreg $0xFFFFFFFF  }
0xad: {  	[dreg:$0x0] =	wrdreg $0x60  }
0xae: {  	[dreg:$0x2] =	wrdreg s24  }
0xaf: {  	[dreg:$0x3] =	wrdreg $0x120000  }
0xb0: {  	[dreg:$0x4] =	wrdreg $0x9  }
0xb1: {  	_ =	task.clear_ibuf [dreg:s6], $0x5FFFF;
	_ =	strace $0x90000049  }
0xb2: {  	s29 =	simm.s32 $0x9;
	_ =	strace $0x8000004B  }
0xb3: {  	_ =	swait.ge [sflag:s29], $0x1  }
0xb4: {  	[sflag:s29] =	ssyncadd.s32 $0xFFFFFFFF  }
0xb5: {  	_ =	strace $0x9000004B  }
0xb6: {  	_ =	sfence  }
0xb7: {  	s30 =	sld [smem:$0x0];
	_ =	sdelay $0x2  }
0xb8: {  	s31 =	sshll.u32 s1, $0xD;
	s1 =	sshrl.u32 s1, $0x2  }
0xb9: {  	s3 =	sand.u32 $0x4000, s31;
	s1 =	sadd.s32 s1, s30  }
0xba: {  	s0 =	sor.u32 s3, s0;
	s1 =	sshll.u32 s1, $0x11  }
0xbb: {  	s0 =	sor.u32 s1, s0  }
0xbc: {  	s0 =	sadd.s32 $0x8F2B, s0  }
0xbd: {  	[sflag:s0] =	ssyncadd.remote.s32 $0x1  }
0xbe: {  	_ =	sfence.sel $0xFFFF  }
0xbf: {  	[dreg:$0x0] =	wrdreg $0xFFFFFFFF;
	(pc) =	sbr.abs _section_cstart, $3  }
0xc0: {  	[dreg:$0x1] =	wrdreg $0xFFFFFFFF  }
0xc1: {  	_ =	task.clear_ibuf [dreg:s6], $0x2FFFF;
	_ =	strace $0x9FFFFFFF  }
0xc2: {  	(tm) =	ssettm $0x7FFFFFFF  }
0xc3: {  	_ =	shalt  }
tec
execute0_lowered:
.L_overlay_start_1:
0x0: {  	(tag) =	ssettag $0x1  }
0x1: {  	s0 =	rddreg [dreg:$0x0]  }
0x2: {  	s2 =	rddreg [dreg:$0x1];
	s8 =	stileid.u32  }
0x3: {  	s1 =	srdreg.scid;
	s4 =	simm.s32 $0x0;
	s15 =	simm.s32 $0x5000  }
0x4: {  	s16 =	simm.s32 $0xA000;
	s17 =	simm.s32 $0xB;
	s18 =	simm.s32 $0x9  }
0x5: {  	s19 =	simm.s32 $0xA;
	s20 =	simm.s32 $0x80;
	s21 =	simm.s32 $0xC000  }
0x6: {  	s22 =	simm.s32 $0x1;
	s23 =	simm.s32 $0x2;
	s29 =	simm.s32 $0x10000  }
0x7: {  	s30 =	simm.s32 $0x3;
	s24 =	simm.s32 $0x5;
	s3 =	smul.u32 $0x9E00, s8  }
0x8: {  	s28 =	simm.s32 $0x6;
	s31 =	simm.s32 $0x0;
	s6 =	smul.u32 $0x9C4, s8  }
0x9: {  	s1 =	sand.u32 $0x1, s1;
	[smem:$0x7FF] =	sst s4;
	s8 =	smul.u32 $0x27800, s8  }
0xa: {  	s4 =	sadd.s32 $0x16000, s0;
	s12 =	sadd.s32 $0x29C00, s0;
	s5 =	smul.u32 $0x9E000, s1  }
0xb: {  	_ =	strace $0x8000004A;
	s7 =	ssub.s32 $0x2, s1;
	p0 =	seq.s32 s1, $0x1  }
0xc: {  	s1 =	simm.s32 $0x7;
	s6 =	sadd.s32 s6, s0;
	s9 =	sshrl.u32 s7, $0x1  }
0xd: {  	s8 =	sshrl.u32 s8, $0x2;
	s5 =	sadd.s32 s3, s5;
	s14 =	ssub.s32 s7, s9  }
0xe: {  	s25 =	sadd.s32 $0xC200, s6;
	s6 =	sadd.s32 $0x2400, s6;
	s7 =	sadd.s32 s3, s2  }
.Ltmp0:
0xf: {  	s26 =	sadd.s32 s8, s2;
	[dreg:$0x3] =	wrdreg s25;
	(pc) =	sbr.rel .LBB2_1-.Ltmp0, $4  }
0x10: {  	v7 =	vlaneseq.u32;
	s5 =	sshrl.u32 s5, $0x3;
	[dreg:$0x4] =	wrdreg s6;
	s8 =	sadd.s32 $0x2000, s26  }
0x11: {  	v0 =	vimm.f32 $0.0e+00;
	v1 =	vor.u32 $0x2710, v7;
	s9 =	sadd.s32 $0x4000, s26;
	s10 =	sadd.s32 $0x6000, s26;
	s11 =	sadd.s32 $0x8000, s26  }
0x12: {  	v2 =	vor.u32 $0x2720, v7;
	v3 =	vor.u32 $0x2730, v7;
	v4 =	vor.u32 $0x2740, v7;
	s14 =	smax.u32 s14, $0x1;
	s26 =	simm.s32 $0xE000;
	s5 =	sadd.s32 s5, s0  }
0x13: {  	v5 =	vor.u32 $0x2750, v7;
	v6 =	vor.u32 $0x2760, v7;
	v7 =	vor.u32 $0x2770, v7;
	s25 =	simm.s32 $0x8;
	s0 =	simm.s32 $0x4;
	s13 =	sadd.s32 $0x3D800, s5  }
.LBB2_10:
0x14: {  	_ =	swait.ge [sflag:s28], $0x2000  }
0x15: {  	[sflag:s28] =	ssyncset.done $0x0  }
0x16: {  	[sflag:s28] =	ssyncadd.s32 $0xFFFFE000  }
0x17: {  	_ =	swait.ge [sflag:s1], $0x2000  }
0x18: {  	[sflag:s1] =	ssyncset.done $0x0  }
0x19: {  	[sflag:s1] =	ssyncadd.s32 $0xFFFFE000  }
0x1a: {  	s3 =	stileid.u32;
	_ =	swait.ge [sflag:s25], $0x2000  }
0x1b: {  	s5 =	sshrl.u32 s7, $0x3;
	s31 =	sadd.s32 $0x1, s31;
	[sflag:s25] =	ssyncset.done $0x0  }
0x1c: {  	s3 =	sshll.u32 s3, $0x6;
	p1 =	sne.s32 s31, s14;
	[sflag:s25] =	ssyncadd.s32 $0xFFFFE000  }
.Ltmp1:
0x1d: {  	s3 =	sor.u32 $0x1C0B, s3;
	[bflag:$0x0] =	sbarrier.arrive $0xFFFF;
	(pc) =	sbr.rel @!p1 .LBB2_11-.Ltmp1, $4  }
0x1e: {  	[hbm:s13], [sflag:s3] =	dma.local [spmem:s5], $0x13C0  }
0x1f: {  	_ =	swait.ge [sflag:s17], $0x13C0  }
0x20: {  	[sflag:s17] =	ssyncset.done $0x0  }
0x21: {  	[sflag:s17] =	ssyncadd.s32 $0xFFFFEC40  }
.LBB2_1:
0x22: {  	s3 =	simm.s32 $0x0;
	s5 =	rddreg [dreg:$0x3]  }
0x23: {  	[tilespmem:s3], [sflag:$0x9] =	stream.linear.gather [hbm4b:s5+s3], $0x4E20, $0x38;
	[tilespmem:$0x1BE00] =	vst v63  }
0x24: {  	s6 =	rddreg [dreg:$0x4]  }
0x25: {  	[tilespmem:s15], [sflag:$0xA] =	stream.linear.gather [hbm4b:s6+s3], $0x4E20, $0x38;
	[tilespmem:$0x1BE00] =	vst v63  }
0x26: {  	s5 =	simm.s32 $0x100;
	s3 =	simm.s32 $0x0  }
.LBB2_2:
0x27: {  	p1 =	sne.s32 s5, $0x7F00;
	[tilespmem:s3+$0xA030] =	vst v0;
	s6 =	smov.u32 s5;
	s5 =	sadd.s32 $0x100, s5  }
.Ltmp2:
0x28: {  	[tilespmem:s3+$0xA020] =	vst v0;
	(pc) =	sbr.rel @p1 .LBB2_2-.Ltmp2, $3  }
0x29: {  	[tilespmem:s3+$0xA000] =	vst v0  }
0x2a: {  	[tilespmem:s3+$0xA010] =	vst v0;
	_ =	sdelay $0x1  }
0x2b: {  	s3 =	sshra.s32 s6, $0x2  }
0x2c: {  	[tilespmem:s3+$0xA030] =	vst v0  }
0x2d: {  	[tilespmem:s3+$0xA020] =	vst v0  }
0x2e: {  	[tilespmem:s3+$0xA000] =	vst v0  }
0x2f: {  	[tilespmem:s3+$0xA010] =	vst v0  }
0x30: {  	[tilespmem:$0x4E20] =	vst v1  }
0x31: {  	[tilespmem:$0x9E20] =	vst v1  }
0x32: {  	[tilespmem:$0x4E30] =	vst v2  }
0x33: {  	[tilespmem:$0x9E30] =	vst v2  }
0x34: {  	[tilespmem:$0x4E40] =	vst v3  }
0x35: {  	[tilespmem:$0x9E40] =	vst v3  }
0x36: {  	[tilespmem:$0x4E50] =	vst v4  }
0x37: {  	[tilespmem:$0x9E50] =	vst v4  }
0x38: {  	[tilespmem:$0x4E60] =	vst v5  }
0x39: {  	[tilespmem:$0x9E60] =	vst v5  }
0x3a: {  	[tilespmem:$0x4E70] =	vst v6  }
0x3b: {  	[tilespmem:$0x9E70] =	vst v6  }
0x3c: {  	[tilespmem:$0x4E80] =	vst v7  }
0x3d: {  	[tilespmem:$0x9E80] =	vst v7  }
0x3e: {  	[tilespmem:$0x4E90] =	vst v1  }
0x3f: {  	[tilespmem:$0x9E90] =	vst v1  }
0x40: {  	[tilespmem:$0x4EA0] =	vst v2  }
0x41: {  	[tilespmem:$0x9EA0] =	vst v2  }
0x42: {  	[tilespmem:$0x4EB0] =	vst v3  }
0x43: {  	[tilespmem:$0x9EB0] =	vst v3  }
0x44: {  	[tilespmem:$0x4EC0] =	vst v4  }
0x45: {  	[tilespmem:$0x9EC0] =	vst v4  }
0x46: {  	[tilespmem:$0x4ED0] =	vst v5  }
0x47: {  	[tilespmem:$0x9ED0] =	vst v5  }
0x48: {  	[tilespmem:$0x4EE0] =	vst v6  }
0x49: {  	[tilespmem:$0x9EE0] =	vst v6  }
0x4a: {  	[tilespmem:$0x4EF0] =	vst v7  }
0x4b: {  	[tilespmem:$0x9EF0] =	vst v7  }
0x4c: {  	[tilespmem:$0x4F00] =	vst v1  }
0x4d: {  	[tilespmem:$0x9F00] =	vst v1  }
0x4e: {  	[tilespmem:$0x4F10] =	vst v2  }
0x4f: {  	[tilespmem:$0x9F10] =	vst v2  }
0x50: {  	[tilespmem:$0x4F20] =	vst v3  }
0x51: {  	[tilespmem:$0x9F20] =	vst v3  }
0x52: {  	[tilespmem:$0x4F30] =	vst v4  }
0x53: {  	[tilespmem:$0x9F30] =	vst v4  }
0x54: {  	[tilespmem:$0x4F40] =	vst v5  }
0x55: {  	[tilespmem:$0x9F40] =	vst v5  }
0x56: {  	[tilespmem:$0x4F50] =	vst v6  }
0x57: {  	[tilespmem:$0x9F50] =	vst v6  }
0x58: {  	[tilespmem:$0x4F60] =	vst v7  }
0x59: {  	[tilespmem:$0x9F60] =	vst v7  }
0x5a: {  	[tilespmem:$0x4F70] =	vst v1  }
0x5b: {  	[tilespmem:$0x9F70] =	vst v1  }
0x5c: {  	[tilespmem:$0x4F80] =	vst v2  }
0x5d: {  	[tilespmem:$0x9F80] =	vst v2  }
0x5e: {  	[tilespmem:$0x4F90] =	vst v3  }
0x5f: {  	[tilespmem:$0x9F90] =	vst v3  }
0x60: {  	[tilespmem:$0x4FA0] =	vst v4  }
0x61: {  	[tilespmem:$0x9FA0] =	vst v4  }
0x62: {  	[tilespmem:$0x4FB0] =	vst v5  }
0x63: {  	[tilespmem:$0x9FB0] =	vst v5  }
0x64: {  	[tilespmem:$0x4FC0] =	vst v6  }
0x65: {  	[tilespmem:$0x9FC0] =	vst v6  }
0x66: {  	[tilespmem:$0x4FD0] =	vst v7  }
0x67: {  	[tilespmem:$0x9FD0] =	vst v7  }
0x68: {  	[tilespmem:$0x4FE0] =	vst v1  }
0x69: {  	[tilespmem:$0x9FE0] =	vst v1  }
0x6a: {  	[tilespmem:$0x4FF0] =	vst v2  }
0x6b: {  	[tilespmem:$0x9FF0] =	vst v2  }
0x6c: {  	[spmem:s7] =	stream.linear.scatter [tilespmem:s16], [sflag:$0xB], $0x2000, $0x38;
	[tilespmem:$0x1BE00] =	vst v63  }
0x6d: {  	_ =	swait.ge [sflag:s17], $0x2000  }
0x6e: {  	[sflag:s17] =	ssyncset.done $0x0  }
0x6f: {  	[sflag:s17] =	ssyncadd.s32 $0xFFFFE000  }
0x70: {  	[spmem:s8] =	stream.linear.scatter [tilespmem:s16], [sflag:$0xB], $0x2000, $0x38;
	[tilespmem:$0x1BE00] =	vst v63  }
0x71: {  	_ =	swait.ge [sflag:s17], $0x2000  }
0x72: {  	[sflag:s17] =	ssyncset.done $0x0  }
0x73: {  	[sflag:s17] =	ssyncadd.s32 $0xFFFFE000  }
0x74: {  	[spmem:s9] =	stream.linear.scatter [tilespmem:s16], [sflag:$0xB], $0x2000, $0x38;
	[tilespmem:$0x1BE00] =	vst v63  }
0x75: {  	_ =	swait.ge [sflag:s17], $0x2000  }
0x76: {  	[sflag:s17] =	ssyncset.done $0x0  }
0x77: {  	[sflag:s17] =	ssyncadd.s32 $0xFFFFE000  }
0x78: {  	[spmem:s10] =	stream.linear.scatter [tilespmem:s16], [sflag:$0xB], $0x2000, $0x38;
	[tilespmem:$0x1BE00] =	vst v63  }
0x79: {  	_ =	swait.ge [sflag:s17], $0x2000  }
0x7a: {  	[sflag:s17] =	ssyncset.done $0x0  }
0x7b: {  	[sflag:s17] =	ssyncadd.s32 $0xFFFFE000  }
0x7c: {  	[spmem:s11] =	stream.linear.scatter [tilespmem:s16], [sflag:$0xB], $0x1E00, $0x38;
	[tilespmem:$0x1BE00] =	vst v63  }
0x7d: {  	_ =	swait.ge [sflag:s17], $0x1E00  }
0x7e: {  	[sflag:s17] =	ssyncset.done $0x0  }
0x7f: {  	[sflag:s17] =	ssyncadd.s32 $0xFFFFE200  }
0x80: {  	[bflag:$0x0] =	sbarrier.arrive $0xFFFF  }
0x81: {  	_ =	swait.ge [sflag:s18], $0x4E20  }
.Ltmp3:
0x82: {  	[sflag:s18] =	ssyncset.done $0x0;
	(pc) =	sbr.rel @!p0 .LBB2_4-.Ltmp3, $4  }
0x83: {  	[sflag:s18] =	ssyncadd.s32 $0xFFFFB1E0  }
0x84: {  	_ =	swait.ge [sflag:s19], $0x4E20  }
0x85: {  	[sflag:s19] =	ssyncset.done $0x0  }
0x86: {  	s3 =	simm.s32 $0x0;
	[sflag:s19] =	ssyncadd.s32 $0xFFFFB1E0  }
0x87: {  	[tilespmem:s16], [sflag:$0x1] =	stream.indirect.gather [hbm4b:s12+s20], $0x40, s3, s20, $0xb8;
	[tilespmem:$0x1BE00] =	vst v63  }
0x88: {  	_ = 	snop  }
0x89: {  	[tilespmem:s21], [sflag:$0x2] =	stream.indirect.gather [hbm4b:s12+s20], $0x40, s20, s20, $0xb8;
	[tilespmem:$0x1BE00] =	vst v63  }
0x8a: {  	_ =	swait.ge [sflag:s22], $0x2000  }
0x8b: {  	[sflag:s22] =	ssyncset.done $0x0  }
0x8c: {  	[sflag:s22] =	ssyncadd.s32 $0xFFFFE000  }
0x8d: {  	[spmem:s2] =	stream.indirect.scatter.add.f32 [tilespmem:s16], [sflag:$0x5], $0x40, s15, s20, $0xb8;
	[tilespmem:$0x1BE00] =	vst v63  }
0x8e: {  	_ =	swait.ge [sflag:s23], $0x2000  }
0x8f: {  	[sflag:s23] =	ssyncset.done $0x0  }
0x90: {  	s5 =	simm.s32 $0x5080;
	[sflag:s23] =	ssyncadd.s32 $0xFFFFE000  }
0x91: {  	[spmem:s2] =	stream.indirect.scatter.add.f32 [tilespmem:s21], [sflag:$0x6], $0x40, s5, s20, $0xb8;
	[tilespmem:$0x1BE00] =	vst v63  }
0x92: {  	s6 =	simm.s32 $0x100  }
0x93: {  	[tilespmem:s26], [sflag:$0x3] =	stream.indirect.gather [hbm4b:s12+s20], $0x40, s6, s20, $0xb8;
	[tilespmem:$0x1BE00] =	vst v63  }
0x94: {  	s6 =	simm.s32 $0x180  }
0x95: {  	[tilespmem:s29], [sflag:$0x4] =	stream.indirect.gather [hbm4b:s12+s20], $0x40, s6, s20, $0xb8;
	[tilespmem:$0x1BE00] =	vst v63  }
0x96: {  	_ =	swait.ge [sflag:s30], $0x2000  }
0x97: {  	[sflag:s30] =	ssyncset.done $0x0  }
0x98: {  	s6 =	simm.s32 $0x5100;
	[sflag:s30] =	ssyncadd.s32 $0xFFFFE000  }
0x99: {  	[spmem:s2] =	stream.indirect.scatter.add.f32 [tilespmem:s26], [sflag:$0x7], $0x40, s6, s20, $0xb8;
	[tilespmem:$0x1BE00] =	vst v63  }
0x9a: {  	_ =	swait.ge [sflag:s0], $0x2000  }
0x9b: {  	[sflag:s0] =	ssyncset.done $0x0  }
0x9c: {  	s6 =	simm.s32 $0x5180;
	[sflag:s0] =	ssyncadd.s32 $0xFFFFE000  }
0x9d: {  	[spmem:s2] =	stream.indirect.scatter.add.f32 [tilespmem:s29], [sflag:$0x8], $0x40, s6, s20, $0xb8;
	[tilespmem:$0x1BE00] =	vst v63  }
0x9e: {  	_ =	swait.ge [sflag:s24], $0x2000  }
0x9f: {  	[sflag:s24] =	ssyncset.done $0x0  }
0xa0: {  	s6 =	simm.s32 $0x200;
	[sflag:s24] =	ssyncadd.s32 $0xFFFFE000  }
0xa1: {  	[tilespmem:s16], [sflag:$0x1] =	stream.indirect.gather [hbm4b:s12+s20], $0x40, s6, s20, $0xb8;
	[tilespmem:$0x1BE00] =	vst v63  }
0xa2: {  	_ =	swait.ge [sflag:s28], $0x2000  }
0xa3: {  	[sflag:s28] =	ssyncset.done $0x0  }
0xa4: {  	s6 =	simm.s32 $0x280;
	[sflag:s28] =	ssyncadd.s32 $0xFFFFE000  }
0xa5: {  	[tilespmem:s21], [sflag:$0x2] =	stream.indirect.gather [hbm4b:s12+s20], $0x40, s6, s20, $0xb8;
	[tilespmem:$0x1BE00] =	vst v63  }
.LBB2_8:
0xa6: {  	_ =	swait.ge [sflag:s22], $0x2000  }
0xa7: {  	s5 =	sshra.s32 s3, $0x2;
	[sflag:s22] =	ssyncset.done $0x0  }
0xa8: {  	s6 =	sadd.s32 $0x5200, s5;
	[sflag:s22] =	ssyncadd.s32 $0xFFFFE000  }
0xa9: {  	[spmem:s2] =	stream.indirect.scatter.add.f32 [tilespmem:s16], [sflag:$0x5], $0x40, s6, s20, $0xb8;
	[tilespmem:$0x1BE00] =	vst v63  }
0xaa: {  	_ =	swait.ge [sflag:s23], $0x2000  }
0xab: {  	[sflag:s23] =	ssyncset.done $0x0  }
0xac: {  	s6 =	sadd.s32 $0x5280, s5;
	[sflag:s23] =	ssyncadd.s32 $0xFFFFE000  }
0xad: {  	[spmem:s2] =	stream.indirect.scatter.add.f32 [tilespmem:s21], [sflag:$0x6], $0x40, s6, s20, $0xb8;
	[tilespmem:$0x1BE00] =	vst v63  }
0xae: {  	_ =	swait.ge [sflag:s1], $0x2000  }
0xaf: {  	[sflag:s1] =	ssyncset.done $0x0  }
0xb0: {  	s6 =	sadd.s32 $0x300, s5;
	[sflag:s1] =	ssyncadd.s32 $0xFFFFE000  }
0xb1: {  	[tilespmem:s26], [sflag:$0x3] =	stream.indirect.gather [hbm4b:s12+s20], $0x40, s6, s20, $0xb8;
	[tilespmem:$0x1BE00] =	vst v63  }
0xb2: {  	_ =	swait.ge [sflag:s25], $0x2000  }
0xb3: {  	[sflag:s25] =	ssyncset.done $0x0  }
0xb4: {  	s6 =	sadd.s32 $0x380, s5;
	[sflag:s25] =	ssyncadd.s32 $0xFFFFE000  }
0xb5: {  	[tilespmem:s29], [sflag:$0x4] =	stream.indirect.gather [hbm4b:s12+s20], $0x40, s6, s20, $0xb8;
	[tilespmem:$0x1BE00] =	vst v63  }
0xb6: {  	_ =	swait.ge [sflag:s30], $0x2000  }
0xb7: {  	[sflag:s30] =	ssyncset.done $0x0  }
0xb8: {  	s6 =	sadd.s32 $0x5300, s5;
	[sflag:s30] =	ssyncadd.s32 $0xFFFFE000  }
0xb9: {  	[spmem:s2] =	stream.indirect.scatter.add.f32 [tilespmem:s26], [sflag:$0x7], $0x40, s6, s20, $0xb8;
	[tilespmem:$0x1BE00] =	vst v63  }
0xba: {  	_ =	swait.ge [sflag:s0], $0x2000  }
0xbb: {  	p1 =	seq.s32 s3, $0x13000;
	[sflag:s0] =	ssyncset.done $0x0  }
.Ltmp4:
0xbc: {  	s6 =	sadd.s32 $0x5380, s5;
	[sflag:s0] =	ssyncadd.s32 $0xFFFFE000;
	(pc) =	sbr.rel @p1 .LBB2_10-.Ltmp4, $4  }
0xbd: {  	[spmem:s2] =	stream.indirect.scatter.add.f32 [tilespmem:s29], [sflag:$0x8], $0x40, s6, s20, $0xb8;
	[tilespmem:$0x1BE00] =	vst v63  }
0xbe: {  	_ =	swait.ge [sflag:s24], $0x2000  }
0xbf: {  	[sflag:s24] =	ssyncset.done $0x0  }
0xc0: {  	[sflag:s24] =	ssyncadd.s32 $0xFFFFE000  }
0xc1: {  	s6 =	sadd.s32 $0x400, s5  }
0xc2: {  	[tilespmem:s16], [sflag:$0x1] =	stream.indirect.gather [hbm4b:s12+s20], $0x40, s6, s20, $0xb8;
	[tilespmem:$0x1BE00] =	vst v63  }
.Ltmp5:
0xc3: {  	_ = 	snop;
	(pc) =	sbr.rel .LBB2_8-.Ltmp5, $4  }
0xc4: {  	_ =	swait.ge [sflag:s28], $0x2000  }
0xc5: {  	[sflag:s28] =	ssyncset.done $0x0  }
0xc6: {  	s3 =	sadd.s32 $0x800, s3;
	s6 =	sadd.s32 $0x480, s5;
	[sflag:s28] =	ssyncadd.s32 $0xFFFFE000  }
0xc7: {  	[tilespmem:s21], [sflag:$0x2] =	stream.indirect.gather [hbm4b:s12+s20], $0x40, s6, s20, $0xb8;
	[tilespmem:$0x1BE00] =	vst v63  }
.LBB2_4:
0xc8: {  	[tilespmem:s16], [sflag:$0x1] =	stream.indirect.gather [hbm4b:s4+s20], $0x40, s3, s20, $0xb8;
	[tilespmem:$0x1BE00] =	vst v63  }
0xc9: {  	_ = 	snop  }
0xca: {  	[tilespmem:s21], [sflag:$0x2] =	stream.indirect.gather [hbm4b:s4+s20], $0x40, s20, s20, $0xb8;
	[tilespmem:$0x1BE00] =	vst v63  }
0xcb: {  	_ =	swait.ge [sflag:s22], $0x2000  }
0xcc: {  	[sflag:s22] =	ssyncset.done $0x0  }
0xcd: {  	[sflag:s22] =	ssyncadd.s32 $0xFFFFE000  }
0xce: {  	[spmem:s2] =	stream.indirect.scatter.add.f32 [tilespmem:s16], [sflag:$0x5], $0x40, s15, s20, $0xb8;
	[tilespmem:$0x1BE00] =	vst v63  }
0xcf: {  	_ =	swait.ge [sflag:s23], $0x2000  }
0xd0: {  	[sflag:s23] =	ssyncset.done $0x0  }
0xd1: {  	s5 =	simm.s32 $0x5080;
	[sflag:s23] =	ssyncadd.s32 $0xFFFFE000  }
0xd2: {  	[spmem:s2] =	stream.indirect.scatter.add.f32 [tilespmem:s21], [sflag:$0x6], $0x40, s5, s20, $0xb8;
	[tilespmem:$0x1BE00] =	vst v63  }
0xd3: {  	s6 =	simm.s32 $0x100  }
0xd4: {  	[tilespmem:s26], [sflag:$0x3] =	stream.indirect.gather [hbm4b:s4+s20], $0x40, s6, s20, $0xb8;
	[tilespmem:$0x1BE00] =	vst v63  }
0xd5: {  	s6 =	simm.s32 $0x180  }
0xd6: {  	[tilespmem:s29], [sflag:$0x4] =	stream.indirect.gather [hbm4b:s4+s20], $0x40, s6, s20, $0xb8;
	[tilespmem:$0x1BE00] =	vst v63  }
0xd7: {  	_ =	swait.ge [sflag:s30], $0x2000  }
0xd8: {  	[sflag:s30] =	ssyncset.done $0x0  }
0xd9: {  	s6 =	simm.s32 $0x5100;
	[sflag:s30] =	ssyncadd.s32 $0xFFFFE000  }
0xda: {  	[spmem:s2] =	stream.indirect.scatter.add.f32 [tilespmem:s26], [sflag:$0x7], $0x40, s6, s20, $0xb8;
	[tilespmem:$0x1BE00] =	vst v63  }
0xdb: {  	_ =	swait.ge [sflag:s0], $0x2000  }
0xdc: {  	[sflag:s0] =	ssyncset.done $0x0  }
0xdd: {  	s6 =	simm.s32 $0x5180;
	[sflag:s0] =	ssyncadd.s32 $0xFFFFE000  }
0xde: {  	[spmem:s2] =	stream.indirect.scatter.add.f32 [tilespmem:s29], [sflag:$0x8], $0x40, s6, s20, $0xb8;
	[tilespmem:$0x1BE00] =	vst v63  }
0xdf: {  	_ =	swait.ge [sflag:s24], $0x2000  }
0xe0: {  	[sflag:s24] =	ssyncset.done $0x0  }
0xe1: {  	s6 =	simm.s32 $0x200;
	[sflag:s24] =	ssyncadd.s32 $0xFFFFE000  }
0xe2: {  	[tilespmem:s16], [sflag:$0x1] =	stream.indirect.gather [hbm4b:s4+s20], $0x40, s6, s20, $0xb8;
	[tilespmem:$0x1BE00] =	vst v63  }
0xe3: {  	_ =	swait.ge [sflag:s28], $0x2000  }
0xe4: {  	[sflag:s28] =	ssyncset.done $0x0  }
0xe5: {  	s6 =	simm.s32 $0x280;
	[sflag:s28] =	ssyncadd.s32 $0xFFFFE000  }
0xe6: {  	[tilespmem:s21], [sflag:$0x2] =	stream.indirect.gather [hbm4b:s4+s20], $0x40, s6, s20, $0xb8;
	[tilespmem:$0x1BE00] =	vst v63  }
.LBB2_5:
0xe7: {  	_ =	swait.ge [sflag:s22], $0x2000  }
0xe8: {  	s5 =	sshra.s32 s3, $0x2;
	[sflag:s22] =	ssyncset.done $0x0  }
0xe9: {  	s6 =	sadd.s32 $0x5200, s5;
	[sflag:s22] =	ssyncadd.s32 $0xFFFFE000  }
0xea: {  	[spmem:s2] =	stream.indirect.scatter.add.f32 [tilespmem:s16], [sflag:$0x5], $0x40, s6, s20, $0xb8;
	[tilespmem:$0x1BE00] =	vst v63  }
0xeb: {  	_ =	swait.ge [sflag:s23], $0x2000  }
0xec: {  	[sflag:s23] =	ssyncset.done $0x0  }
0xed: {  	s6 =	sadd.s32 $0x5280, s5;
	[sflag:s23] =	ssyncadd.s32 $0xFFFFE000  }
0xee: {  	[spmem:s2] =	stream.indirect.scatter.add.f32 [tilespmem:s21], [sflag:$0x6], $0x40, s6, s20, $0xb8;
	[tilespmem:$0x1BE00] =	vst v63  }
0xef: {  	_ =	swait.ge [sflag:s1], $0x2000  }
0xf0: {  	[sflag:s1] =	ssyncset.done $0x0  }
0xf1: {  	s6 =	sadd.s32 $0x300, s5;
	[sflag:s1] =	ssyncadd.s32 $0xFFFFE000  }
0xf2: {  	[tilespmem:s26], [sflag:$0x3] =	stream.indirect.gather [hbm4b:s4+s20], $0x40, s6, s20, $0xb8;
	[tilespmem:$0x1BE00] =	vst v63  }
0xf3: {  	_ =	swait.ge [sflag:s25], $0x2000  }
0xf4: {  	[sflag:s25] =	ssyncset.done $0x0  }
0xf5: {  	s6 =	sadd.s32 $0x380, s5;
	[sflag:s25] =	ssyncadd.s32 $0xFFFFE000  }
0xf6: {  	[tilespmem:s29], [sflag:$0x4] =	stream.indirect.gather [hbm4b:s4+s20], $0x40, s6, s20, $0xb8;
	[tilespmem:$0x1BE00] =	vst v63  }
0xf7: {  	_ =	swait.ge [sflag:s30], $0x2000  }
0xf8: {  	[sflag:s30] =	ssyncset.done $0x0  }
0xf9: {  	s6 =	sadd.s32 $0x5300, s5;
	[sflag:s30] =	ssyncadd.s32 $0xFFFFE000  }
0xfa: {  	[spmem:s2] =	stream.indirect.scatter.add.f32 [tilespmem:s26], [sflag:$0x7], $0x40, s6, s20, $0xb8;
	[tilespmem:$0x1BE00] =	vst v63  }
0xfb: {  	_ =	swait.ge [sflag:s0], $0x2000  }
0xfc: {  	p1 =	seq.s32 s3, $0x13000;
	[sflag:s0] =	ssyncset.done $0x0  }
.Ltmp6:
0xfd: {  	s6 =	sadd.s32 $0x5380, s5;
	[sflag:s0] =	ssyncadd.s32 $0xFFFFE000;
	(pc) =	sbr.rel @p1 .LBB2_10-.Ltmp6, $4  }
0xfe: {  	[spmem:s2] =	stream.indirect.scatter.add.f32 [tilespmem:s29], [sflag:$0x8], $0x40, s6, s20, $0xb8;
	[tilespmem:$0x1BE00] =	vst v63  }
0xff: {  	_ =	swait.ge [sflag:s24], $0x2000  }
0x100: {  	[sflag:s24] =	ssyncset.done $0x0  }
0x101: {  	[sflag:s24] =	ssyncadd.s32 $0xFFFFE000  }
0x102: {  	s6 =	sadd.s32 $0x400, s5  }
0x103: {  	[tilespmem:s16], [sflag:$0x1] =	stream.indirect.gather [hbm4b:s4+s20], $0x40, s6, s20, $0xb8;
	[tilespmem:$0x1BE00] =	vst v63  }
.Ltmp7:
0x104: {  	_ = 	snop;
	(pc) =	sbr.rel .LBB2_5-.Ltmp7, $4  }
0x105: {  	_ =	swait.ge [sflag:s28], $0x2000  }
0x106: {  	[sflag:s28] =	ssyncset.done $0x0  }
0x107: {  	s3 =	sadd.s32 $0x800, s3;
	s6 =	sadd.s32 $0x480, s5;
	[sflag:s28] =	ssyncadd.s32 $0xFFFFE000  }
0x108: {  	[tilespmem:s21], [sflag:$0x2] =	stream.indirect.gather [hbm4b:s4+s20], $0x40, s6, s20, $0xb8;
	[tilespmem:$0x1BE00] =	vst v63  }
.LBB2_11:
0x109: {  	_ =	sfence.sel $0x180000  }
0x10a: {  	[bflag:$0x0] =	sbarrier.arrive $0xFFFF  }
0x10b: {  	_ =	strace $0x9000004A  }
0x10c: {  	s0 =	stileid.u32;
	[bflag:$0x2] =	sbarrier.arrive $0xFFFF  }
0x10d: {  	p0 =	sne.s32 s0, $0x0;
	s0 =	rddreg [dreg:$0x2]  }
0x10e: {  	s0 =	sadd.s32 @!p0 $0x100000, s0  }
0x10f: {  	[sflag:s0] =	ssyncadd.tile.s32 @!p0 $0x1;
	_ =	shalt  }
.Lfunc_end2:
_tile_overlayer_lowered:
.L_overlay_start_2:
0x110: {  	(tag) =	ssettag $0x2  }
0x111: {  	s0 =	rddreg [dreg:$0x0];
	s2 =	stileid.u32  }
0x112: {  	s1 =	rddreg [dreg:$0x1];
	p0 =	sne.s32 s2, $0x0  }
0x113: {  	s3 =	rddreg [dreg:$0x2];
	[bflag:$0x3] =	sbarrier.arrive $0xFFFF;
	s2 =	simm.s32 @!p0 $0x1C0B  }
0x114: {  	[timem:s3], [sflag:s2] =	dma.local @!p0 [hbm:s0], s1  }
0x115: {  	s0 =	simm.s32 @!p0 $0xB  }
0x116: {  	_ =	swait.ge @!p0 [sflag:s0], s1  }
0x117: {  	s1 =	ssub.s32 @!p0 $0x0, s1;
	[sflag:s0] =	ssyncset.done @!p0 $0x0  }
0x118: {  	[sflag:s0] =	ssyncadd.s32 @!p0 s1  }
0x119: {  	[bflag:$0x3] =	sbarrier.arrive $0xFFFF  }
0x11a: {  	_ =	shalt  }

// kernel: kernel.7.cloned.1.call-start
scs
__scs_entry_jumppad:
0x0: {  	(pc) =	sbr.rel $0x88, $3  }
0x1: {  	(tag) =	ssettag $0x0;
	lr =	simm.s32 $0x1  }
0x2: {  	[smem:$0x3F9B] =	sst lr;
	_ =	strace $0xD0000000  }
0x3: {  	_ = 	snop  }
0x4: {  	_ = 	snop  }
0x5: {  	_ = 	snop  }
0x6: {  	_ = 	snop  }
0x7: {  	_ = 	snop  }
__scs_overlays_trampoline_lowered:
0x8: {  	[smem:$0x3FAA] =	sst s0  }
0x9: {  	[smem:$0x3FAB] =	sst s1  }
0xa: {  	[smem:$0x3FAC] =	sst s2  }
0xb: {  	[smem:$0x3FAD] =	sst s3  }
0xc: {  	[smem:$0x3FAE] =	sst s4  }
0xd: {  	[smem:$0x3FAF] =	sst s5  }
0xe: {  	[smem:$0x3FB0] =	sst s6  }
0xf: {  	[smem:$0x3FB1] =	sst s7  }
0x10: {  	[smem:$0x3FB2] =	sst s8  }
0x11: {  	[smem:$0x3FB3] =	sst s9;
	s0 =	simm.s32 @!p0 $0x0  }
0x12: {  	s1 =	sld [smem:$0x3F99];
	s0 =	simm.s32 @p0 $0x1  }
0x13: {  	[smem:$0x3FB4] =	sst s0;
	s0 =	simm.s32 @!p1 $0x0  }
0x14: {  	s2 =	sld [smem:$0x3F98];
	s0 =	simm.s32 @p1 $0x1  }
0x15: {  	[smem:$0x3FB5] =	sst s0;
	s0 =	simm.s32 @!p2 $0x0  }
0x16: {  	s3 =	sld [smem:$0x3FDB];
	s0 =	simm.s32 @p2 $0x1  }
0x17: {  	s4 =	simm.s32 $0x1BF5;
	[smem:$0x3FB7] =	sst s0  }
0x18: {  	s0 =	sld [smem:$0x3F9A];
	_ =	swait.ge [sflag:s4], $0x0  }
0x19: {  	s7 =	sld [smem:$0x3F9B]  }
0x1a: {  	s8 =	sadd.s32 $0xFFFFE003, lr  }
0x1b: {  	s9 =	sadd.s32 $0xFFFFFEF7, lr;
	s5 =	simm.s32 $0xFFFFFFFF;
	p2 =	slt.u32 s8, $0xFFFFF086  }
0x1c: {  	p1 =	slt.u32 s9, $0xF7A;
	s5 =	simm.s32 @!p2 $0x0  }
0x1d: {  	s5 =	simm.s32 @p1 $0x1;
	p0 =	seq.s32 s7, s2  }
0x1e: {  	s7 =	smul.u32 @!p0 $0xF7A, s2;
	p2 =	seq.s32 @!p0 s5, $0x0  }
0x1f: {  	s9 =	smul.u32 $0xF7A, s1;
	s8 =	simm.s32 @!p0 $0x1BF5;
	p2 =	por !p2, p0  }
0x20: {  	[sflag:s8] =	ssyncset.s32 @!p0 $0xFFFFF086;
	s6 =	sadd.s32 @!p0 s3, s7;
	s7 =	simm.s32 @!p0 $0x108  }
0x21: {  	s3 =	sadd.s32 s3, s9;
	s6 =	sadd.s32 @!p0 $0x88, s6;
	s7 =	simm.s32 @p2 $0x1082  }
0x22: {  	[simem:s7], [sflag:s8] =	dma.local @!p0 [hbm:s6], $0xF7A  }
0x23: {  	s9 =	sor.u32 $0xD0000000, s2;
	s6 =	simm.s32 $0x108;
	_ =	swait.ge @!p0 [sflag:s8], $0x0  }
0x24: {  	s3 =	sadd.s32 $0x88, s3;
	s6 =	simm.s32 @!p1 $0x1082;
	[sflag:s4] =	ssyncset.s32 $0xFFFFF086  }
0x25: {  	[simem:s6], [sflag:s4] =	dma.local [hbm:s3], $0xF7A  }
0x26: {  	[smem:$0x3F9B] =	sst s1;
	(tag) =	ssettag s2;
	_ =	strace s9  }
0x27: {  	s1 =	sld [smem:$0x3FAB]  }
0x28: {  	s2 =	sld [smem:$0x3FAC]  }
0x29: {  	s4 =	sld [smem:$0x3FAE]  }
0x2a: {  	p0 =	seq.s32 s5, $0x0;
	s5 =	sld [smem:$0x3FAF]  }
0x2b: {  	s6 =	sld [smem:$0x3FB0]  }
0x2c: {  	s7 =	sld [smem:$0x3FB1]  }
0x2d: {  	s3 =	simm.s32 $0x108;
	s8 =	sld [smem:$0x3FB2]  }
0x2e: {  	s3 =	simm.s32 @!p0 $0x1082;
	s9 =	sld [smem:$0x3FB3]  }
0x2f: {  	lr =	sadd.s32 s0, s3;
	s0 =	sld [smem:$0x3FAA]  }
0x30: {  	s3 =	sld [smem:$0x3FAD]  }
0x31: {  	[smem:$0x3FB6] =	sst s10  }
0x32: {  	s10 =	sld [smem:$0x3FB4];
	_ =	sdelay $0x3  }
0x33: {  	p0 =	seq.s32 s10, $0x1;
	s10 =	sld [smem:$0x3FB6];
	_ =	sdelay $0x3  }
0x34: {  	[smem:$0x3FB6] =	sst s10  }
0x35: {  	s10 =	sld [smem:$0x3FB5];
	_ =	sdelay $0x3  }
0x36: {  	p1 =	seq.s32 s10, $0x1;
	s10 =	sld [smem:$0x3FB6];
	_ =	sdelay $0x3  }
0x37: {  	[smem:$0x3FB6] =	sst s10  }
0x38: {  	s10 =	sld [smem:$0x3FB7]  }
0x39: {  	_ = 	snop;
	(pc) =	sbr.ind lr, $3  }
0x3a: {  	_ = 	snop  }
0x3b: {  	_ = 	snop  }
0x3c: {  	p2 =	seq.s32 s10, $0x1;
	s10 =	sld [smem:$0x3FB6]  }
0x3d: {  	_ =	shalt  }
0x3e: {  	_ =	shalt  }
0x3f: {  	_ =	shalt  }
0x40: {  	_ =	shalt  }
0x41: {  	_ =	shalt  }
0x42: {  	_ =	shalt  }
0x43: {  	_ =	shalt  }
0x44: {  	_ =	shalt  }
0x45: {  	_ =	shalt  }
0x46: {  	_ =	shalt  }
0x47: {  	_ =	shalt  }
0x48: {  	_ =	shalt  }
0x49: {  	_ =	shalt  }
0x4a: {  	_ =	shalt  }
0x4b: {  	_ =	shalt  }
0x4c: {  	_ =	shalt  }
0x4d: {  	_ =	shalt  }
0x4e: {  	_ =	shalt  }
0x4f: {  	_ =	shalt  }
0x50: {  	_ =	shalt  }
0x51: {  	_ =	shalt  }
0x52: {  	_ =	shalt  }
0x53: {  	_ =	shalt  }
0x54: {  	_ =	shalt  }
0x55: {  	_ =	shalt  }
0x56: {  	_ =	shalt  }
0x57: {  	_ =	shalt  }
0x58: {  	_ =	shalt  }
0x59: {  	_ =	shalt  }
0x5a: {  	_ =	shalt  }
0x5b: {  	_ =	shalt  }
0x5c: {  	_ =	shalt  }
0x5d: {  	_ =	shalt  }
0x5e: {  	_ =	shalt  }
0x5f: {  	_ =	shalt  }
0x60: {  	_ =	shalt  }
0x61: {  	_ =	shalt  }
0x62: {  	_ =	shalt  }
0x63: {  	_ =	shalt  }
0x64: {  	_ =	shalt  }
0x65: {  	_ =	shalt  }
0x66: {  	_ =	shalt  }
0x67: {  	_ =	shalt  }
0x68: {  	_ =	shalt  }
0x69: {  	_ =	shalt  }
0x6a: {  	_ =	shalt  }
0x6b: {  	_ =	shalt  }
0x6c: {  	_ =	shalt  }
0x6d: {  	_ =	shalt  }
0x6e: {  	_ =	shalt  }
0x6f: {  	_ =	shalt  }
0x70: {  	_ =	shalt  }
0x71: {  	_ =	shalt  }
0x72: {  	_ =	shalt  }
0x73: {  	_ =	shalt  }
0x74: {  	_ =	shalt  }
0x75: {  	_ =	shalt  }
0x76: {  	_ =	shalt  }
0x77: {  	_ =	shalt  }
0x78: {  	_ =	shalt  }
0x79: {  	_ =	shalt  }
0x7a: {  	_ =	shalt  }
0x7b: {  	_ =	shalt  }
0x7c: {  	_ =	shalt  }
0x7d: {  	_ =	shalt  }
0x7e: {  	_ =	shalt  }
0x7f: {  	_ =	shalt  }
0x80: {  	_ =	shalt  }
0x81: {  	_ =	shalt  }
0x82: {  	_ =	shalt  }
0x83: {  	_ =	shalt  }
0x84: {  	_ =	shalt  }
0x85: {  	_ =	shalt  }
0x86: {  	_ =	shalt  }
0x87: {  	_ =	shalt  }
.Lfunc_end0:
.L_simem_size_0:
called_computation_lowered:
.L_overlay_start_0:
0x88: {  	s2 =	sld [smem:$0x3FD9]  }
0x89: {  	s3 =	sld [smem:$0x3FFE];
	_ =	sdelay $0x1  }
0x8a: {  	s1 =	srdreg.scid  }
0x8b: {  	s0 =	sand.u32 $0x1, s1  }
0x8c: {  	s17 =	sshll.u32 s0, $0xA;
	s2 =	sadd.s32 s3, s2  }
0x8d: {  	s2 =	sadd.s32 s2, s17  }
0x8e: {  	[smem:$0x3FC2] =	sst s2  }
0x8f: {  	_ = 	snop  }
0x90: {  	s2 =	sld [smem:$0x3FD0];
	(tm) =	ssettm $0x1  }
0x91: {  	s18 =	sld [smem:$0x3FFB];
	_ =	sdelay $0x3  }
0x92: {  	_ =	strace s18  }
0x93: {  	s3 =	sld [smem:$0x3FFC];
	_ =	sdelay $0x3  }
0x94: {  	_ =	strace s3  }
0x95: {  	s3 =	sld [smem:$0x3FFD];
	_ =	sdelay $0x3  }
0x96: {  	_ =	strace s3  }
0x97: {  	_ =	strace $0x8FFFFFFF  }
0x98: {  	s19 =	sld [smem:$0x3FDB];
	_ =	sdelay $0x1  }
0x99: {  	s4 =	simm.s32 $_scs_section_size  }
0x9a: {  	s5 =	simm.s32 $_size__tile_overlayer_lowered;
	s6 =	simm.s32 $_tile_overlayer_lowered  }
0x9b: {  	s22 =	simm.s32 $0x1BFF;
	s21 =	sshll.u32 s6, $0x1;
	s3 =	sadd.s32 s4, s19  }
0x9c: {  	s7 =	simm.s32 $0x0;
	s20 =	sshll.u32 s5, $0x1;
	s5 =	sadd.s32 s21, s3  }
0x9d: {  	[timem:s7], [sflag:s22] =	dma.local [hbm:s5], s20  }
0x9e: {  	_ =	swait.ge [sflag:s22], s20  }
0x9f: {  	s4 =	ssub.s32 $0x0, s20;
	[sflag:s22] =	ssyncset.done $0x0  }
0xa0: {  	[sflag:s22] =	ssyncadd.s32 s4;
	_ =	sdelay $0x1  }
0xa1: {  	s23 =	simm.s32 $0x1B8B  }
0xa2: {  	_ =	swait.ge [sflag:s23], $0x1  }
0xa3: {  	[sflag:s23] =	ssyncset.done $0x0  }
0xa4: {  	s25 =	simm.s32 $0x1B8E;
	s24 =	sld [smem:$0x3FFE];
	[sflag:s23] =	ssyncadd.s32 $0xFFFFFFFF  }
0xa5: {  	s26 =	simm.s32 $execute0_lowered;
	[smem:$0x3FD2] =	sst s25  }
0xa6: {  	s5 =	sshll.u32 s26, $0x1;
	_ =	strace $0x80000046;
	[dreg:$0x1] =	wrdreg $0xFFFFFFFF  }
0xa7: {  	s28 =	simm.s32 $_size_execute0_lowered;
	s3 =	sadd.s32 s3, s5;
	[dreg:$0x0] =	wrdreg $0x0  }
0xa8: {  	s5 =	sshll.u32 s28, $0x1;
	[dreg:$0x2] =	wrdreg s3  }
0xa9: {  	[dreg:$0x3] =	wrdreg s5  }
0xaa: {  	[dreg:$0x4] =	wrdreg $0xC0  }
0xab: {  	_ =	task [dreg:s7], $0x5FFFF  }
0xac: {  	[dreg:$0x1] =	wrdreg $0xFFFFFFFF  }
0xad: {  	[dreg:$0x0] =	wrdreg $0x60  }
0xae: {  	[dreg:$0x2] =	wrdreg s24  }
0xaf: {  	[dreg:$0x3] =	wrdreg s2  }
0xb0: {  	[dreg:$0x4] =	wrdreg $0x9  }
0xb1: {  	_ =	task.clear_ibuf [dreg:s7], $0x5FFFF;
	_ =	strace $0x90000046  }
0xb2: {  	s29 =	simm.s32 $0x9;
	_ =	strace $0x80000048  }
0xb3: {  	_ =	swait.ge [sflag:s29], $0x1  }
0xb4: {  	[sflag:s29] =	ssyncadd.s32 $0xFFFFFFFF  }
0xb5: {  	_ =	strace $0x90000048  }
0xb6: {  	_ =	sfence  }
0xb7: {  	s30 =	sld [smem:$0x0];
	_ =	sdelay $0x2  }
0xb8: {  	s31 =	sshll.u32 s1, $0xD;
	s1 =	sshrl.u32 s1, $0x2  }
0xb9: {  	s3 =	sand.u32 $0x4000, s31;
	s1 =	sadd.s32 s1, s30  }
0xba: {  	s0 =	sor.u32 s3, s0;
	s1 =	sshll.u32 s1, $0x11  }
0xbb: {  	s0 =	sor.u32 s1, s0  }
0xbc: {  	s0 =	sadd.s32 $0x8F2B, s0  }
0xbd: {  	[sflag:s0] =	ssyncadd.remote.s32 $0x1  }
0xbe: {  	_ =	sfence.sel $0xFFFF  }
0xbf: {  	[dreg:$0x0] =	wrdreg $0xFFFFFFFF;
	(pc) =	sbr.abs _section_cstart, $3  }
0xc0: {  	[dreg:$0x1] =	wrdreg $0xFFFFFFFF  }
0xc1: {  	_ =	task.clear_ibuf [dreg:s7], $0x2FFFF;
	_ =	strace $0x9FFFFFFF  }
0xc2: {  	(tm) =	ssettm $0x7FFFFFFF  }
0xc3: {  	_ =	shalt  }
tec
execute0_lowered:
.L_overlay_start_1:
0x0: {  	(tag) =	ssettag $0x1  }
0x1: {  	s3 =	rddreg [dreg:$0x0];
	s1 =	srdreg.scid  }
0x2: {  	s0 =	stileid.u32;
	s4 =	rddreg [dreg:$0x1];
	s9 =	simm.s32 $0x400  }
0x3: {  	s5 =	sand.u32 $0x1, s1;
	s2 =	sshll.u32 s0, $0x1;
	s8 =	sshrl.u32 s0, $0x2  }
0x4: {  	s1 =	rddreg [dreg:$0x2];
	s6 =	sor.u32 s5, s2;
	s8 =	smul.u32 $0x13C00, s8  }
0x5: {  	s2 =	simm.s32 $0x0;
	s5 =	ssub.s32 $0x2, s5;
	s7 =	smul.u32 $0x4E2, s6  }
0x6: {  	[smem:$0x7FF] =	sst s2;
	s6 =	sshll.u32 s6, $0x7;
	s31 =	sshrl.u32 s5, $0x1  }
0x7: {  	_ =	strace $0x80000047;
	s6 =	sand.u32 $0x380, s6;
	s5 =	ssub.s32 s5, s31  }
0x8: {  	s3 =	sadd.s32 s7, s3;
	s6 =	sor.u32 s8, s6;
	s5 =	smax.u32 s5, $0x1  }
0x9: {  	s7 =	simm.s32 $0x2780;
	s8 =	simm.s32 $0x80;
	s6 =	sshrl.u32 s6, $0x3  }
0xa: {  	v0 =	vimm.f32 $0.0e+00;
	v1 =	vimm.f32 $1.000000000e+00;
	s3 =	sadd.s32 $0x2400, s3;
	s4 =	sadd.s32 s4, s6;
	s6 =	simm.s32 $0x1  }
.LBB2_1:
0xb: {  	s10 =	simm.s32 $0x40;
	s11 =	simm.s32 $0x0  }
.LBB2_2:
0xc: {  	p0 =	sne.s32 s10, $0x9DC0;
	[tilespmem:s11+$0x2780] =	vst v0;
	s11 =	smov.u32 s10;
	s10 =	sadd.s32 $0x40, s10  }
.Ltmp0:
0xd: {  	(pc) =	sbr.rel @p0 .LBB2_2-.Ltmp0, $2  }
0xe: {  	_ =	sdelay $0x2  }
0xf: {  	s11 =	sshra.s32 s11, $0x2  }
0x10: {  	[tilespmem:s11+$0x2780] =	vst v0;
	s10 =	simm.s32 $0x0  }
0x11: {  	[tilespmem:s10], [sflag:$0x1] =	stream.linear.gather [hbm4b:s3+s10], $0x2710, $0x38;
	[tilespmem:$0x4F00] =	vst v63  }
0x12: {  	_ =	swait.ge [sflag:s6], $0x2710  }
0x13: {  	[sflag:s6] =	ssyncset.done $0x0  }
0x14: {  	[sflag:s6] =	ssyncadd.s32 $0xFFFFD8F0  }
.LBB2_4:
0x15: {  	s11 =	sshra.s32 s10, $0x2  }
0x16: {  	v2 =	vld [tilespmem:s11+$0x0];
	_ =	sdelay $0x7  }
0x17: {  	[tilespmem:v2+s7+$0x0] =	vst.idx.add.f32.msk $0xffff, v1  }
0x18: {  	v2 =	vld [tilespmem:s11+$0x10];
	_ =	sdelay $0x7  }
0x19: {  	[tilespmem:v2+s7+$0x0] =	vst.idx.add.f32.msk $0xffff, v1  }
0x1a: {  	v2 =	vld [tilespmem:s11+$0x20];
	_ =	sdelay $0x7  }
0x1b: {  	[tilespmem:v2+s7+$0x0] =	vst.idx.add.f32.msk $0xffff, v1  }
0x1c: {  	v2 =	vld [tilespmem:s11+$0x30];
	_ =	sdelay $0x7  }
0x1d: {  	[tilespmem:v2+s7+$0x0] =	vst.idx.add.f32.msk $0xffff, v1  }
0x1e: {  	v2 =	vld [tilespmem:s11+$0x40];
	_ =	sdelay $0x2  }
0x1f: {  	p0 =	sne.s32 s10, $0x9B00  }
.Ltmp1:
0x20: {  	_ = 	snop;
	(pc) =	sbr.rel @p0 .LBB2_4-.Ltmp1, $2  }
0x21: {  	_ =	sdelay $0x2  }
0x22: {  	s10 =	sadd.s32 $0x140, s10;
	[tilespmem:v2+s7+$0x0] =	vst.idx.add.f32.msk $0xffff, v1  }
0x23: {  	s2 =	sadd.s32 $0x1, s2  }
0x24: {  	p0 =	sne.s32 s2, s5  }
.Ltmp2:
0x25: {  	_ = 	snop;
	(pc) =	sbr.rel @p0 .LBB2_1-.Ltmp2, $4  }
0x26: {  	[hbm4b:s4+s8] =	stream.strided.scatter [tilespmem:s7], [sflag:$0x1], $0x2780, s9, s8, $0x38;
	[tilespmem:$0x4F00] =	vst v63  }
0x27: {  	_ =	swait.ge [sflag:s6], $0x2780  }
0x28: {  	[sflag:s6] =	ssyncset.done $0x0  }
0x29: {  	[sflag:s6] =	ssyncadd.s32 $0xFFFFD880  }
0x2a: {  	_ =	sfence.sel $0x180000  }
0x2b: {  	[bflag:$0x0] =	sbarrier.arrive $0xFFFF  }
0x2c: {  	p0 =	sne.s32 s0, $0x0;
	_ =	strace $0x90000047  }
0x2d: {  	s0 =	sadd.s32 @!p0 $0x100000, s1;
	[bflag:$0x2] =	sbarrier.arrive $0xFFFF  }
0x2e: {  	[sflag:s0] =	ssyncadd.tile.s32 @!p0 $0x1;
	_ =	shalt  }
.Lfunc_end2:
_tile_overlayer_lowered:
.L_overlay_start_2:
0x2f: {  	(tag) =	ssettag $0x2  }
0x30: {  	s0 =	rddreg [dreg:$0x0];
	s2 =	stileid.u32  }
0x31: {  	s1 =	rddreg [dreg:$0x1];
	p0 =	sne.s32 s2, $0x0  }
0x32: {  	s3 =	rddreg [dreg:$0x2];
	[bflag:$0x3] =	sbarrier.arrive $0xFFFF;
	s2 =	simm.s32 @!p0 $0x1C01  }
0x33: {  	[timem:s3], [sflag:s2] =	dma.local @!p0 [hbm:s0], s1  }
0x34: {  	s0 =	simm.s32 @!p0 $0x1  }
0x35: {  	_ =	swait.ge @!p0 [sflag:s0], s1  }
0x36: {  	s1 =	ssub.s32 @!p0 $0x0, s1;
	[sflag:s0] =	ssyncset.done @!p0 $0x0  }
0x37: {  	[sflag:s0] =	ssyncadd.s32 @!p0 s1  }
0x38: {  	[bflag:$0x3] =	sbarrier.arrive $0xFFFF  }
0x39: {  	_ =	shalt  }

</sc_bundles>
